<compile_context>
chip_gen: v7x
topology: tpu7x:2x2x1
jax: 0.10.2.dev20260603
libtpu: 0.0.44.dev20260713+nightly
codegen_flags: <defaults>
</compile_context>

<pallas_src>
import functools

import jax
import jax.numpy as jnp
from jax import lax
from jax.experimental import pallas as pl
from jax.experimental.pallas import tpu as pltpu
from jax.experimental.pallas import tpu_sc as plsc

_DIM = 64
_PAD = 128
_CHUNK = 128
_K = 4
_NC = 2
_NS = 16
_NW = _NC * _NS


def _embed_body(table_hbm, idx_hbm, out_hbm, idx_v, gbuf, gsem, wsem):
    wid = lax.axis_index("s") * _NC + lax.axis_index("c")
    rows_total = idx_hbm.shape[0]
    per_w = rows_total // _NW
    base = wid * per_w
    seq = out_hbm.shape[1]
    grp = _K * _CHUNK
    n_groups = per_w // _K

    pltpu.sync_copy(idx_hbm.at[pl.ds(base, per_w)], idx_v)

    def fire_gathers(g, s):
        for j in range(_K):
            pltpu.async_copy(
                table_hbm.at[idx_v.at[g * _K + j]],
                gbuf.at[s, pl.ds(j * _CHUNK, _CHUNK)],
                gsem,
            )

    def wait_gathers(s):
        pltpu.make_async_copy(table_hbm.at[pl.ds(0, grp)], gbuf.at[s], gsem).wait()

    def fire_writeback(g, s):
        t0 = (base + g * _K) * _CHUNK
        b = t0 // seq
        s0 = t0 % seq
        pltpu.async_copy(
            gbuf.at[s], out_hbm.at[b, pl.ds(s0, grp), pl.ds(0, _DIM)], wsem
        )

    def wait_writeback(s):
        pltpu.make_async_copy(
            gbuf.at[s], out_hbm.at[0, pl.ds(0, grp), pl.ds(0, _DIM)], wsem
        ).wait()

    fire_gathers(0, 0)

    def pair_body(i, carry):
        for s in (0, 1):
            g = 2 * i + s

            @pl.when(g + 1 < n_groups)
            def _fire_next():
                if s == 1:
                    wait_writeback(1 - s)
                else:

                    @pl.when(g >= 1)
                    def _():
                        wait_writeback(1 - s)

                fire_gathers(g + 1, 1 - s)

            wait_gathers(s)
            fire_writeback(g, s)
        return carry

    lax.fori_loop(0, n_groups // 2, pair_body, 0)
    wait_writeback(0)
    wait_writeback(1)


@functools.partial(jax.jit, static_argnames=("batch", "seq"))
def _gather_rows(table_pad, idx2d, batch, seq):
    mesh = plsc.VectorSubcoreMesh(core_axis_name="c", subcore_axis_name="s")
    n_rows = idx2d.shape[0]
    fn = functools.partial(
        pl.kernel,
        mesh=mesh,
        out_type=jax.ShapeDtypeStruct((batch, seq, _PAD), jnp.float32),
        scratch_types=[
            pltpu.VMEM((n_rows // _NW, _CHUNK), jnp.int32),
            pltpu.VMEM((2, _K * _CHUNK, _DIM), jnp.float32),
            pltpu.SemaphoreType.DMA,
            pltpu.SemaphoreType.DMA,
        ],
        compiler_params=pltpu.CompilerParams(use_tc_tiling_on_sc=False),
    )(_embed_body)
    return fn(table_pad, idx2d)


def kernel(input_ids, attention_mask, table):
    b, s = input_ids.shape
    n_rows = (b * s) // _CHUNK
    idx2d = input_ids.reshape(n_rows, _CHUNK)
    out128 = _gather_rows(table, idx2d, b, s)
    token_embeddings = out128[:, :, :_DIM]
    return (input_ids, token_embeddings, attention_mask)

# --- scband reference (transcript-rebuilt; emitter-appended) ---
"""Pipeline reference for scband-word-llama-embedding-87041807220863 (READ-ONLY COPY).

The authoritative reference and input builder live on the scoring server;
editing this copy changes nothing except your own understanding.
"""

import jax, jax.numpy as jnp
import numpy as np

N_VOCAB = 1000000
DIM = 64
BATCH = 1024
SEQ = 1024


def setup_inputs(seed: int = 0) -> dict:
    key = jax.random.key(seed)
    k_ids, k_tab = jax.random.split(key)
    input_ids = jax.random.randint(k_ids, (BATCH, SEQ), 0, N_VOCAB, dtype=jnp.int32)
    attention_mask = jnp.ones((BATCH, SEQ), dtype=jnp.int32)
    # Learned parameter: embedding table, sized per init_kwargs (n_vocab x dim)
    table = jax.random.normal(k_tab, (N_VOCAB, DIM), dtype=jnp.float32)
    return {"input_ids": input_ids, "attention_mask": attention_mask, "table": table}


def reference(input_ids, attention_mask, table):
    # Faithful translation of WordLlamaEmbedding.forward:
    # returns dict {'token_ids', 'token_embeddings', 'attention_mask'} -> tuple here
    token_embeddings = jnp.take(table, input_ids, axis=0)
    return (input_ids, token_embeddings, attention_mask)

if __name__ == "__main__":
    import jax
    _d = setup_inputs()
    print(jax.jit(kernel)(*tuple(_d.values())))

</pallas_src>

<mosaic_0001>
#map = affine_map<(d0, d1) -> (0, 0)>
#map1 = affine_map<(d0, d1) -> (0, 0, 0)>
module attributes {stable_mosaic.version = 14 : i64} {
  func.func @_embed_body(%arg0: i32, %arg1: i32, %arg2: memref<1000000x64xf32, #tpu.memory_space<hbm>>, %arg3: memref<8192x128xi32, #tpu.memory_space<hbm>>, %arg4: memref<1024x1024x128xf32, #tpu.memory_space<hbm>>, %arg5: memref<256x128xi32, #tpu.memory_space<vmem>>, %arg6: memref<2x512x64xf32, #tpu.memory_space<vmem>>, %arg7: memref<!tpu.dma_semaphore, #tpu.memory_space<semaphore_mem>>, %arg8: memref<!tpu.dma_semaphore, #tpu.memory_space<semaphore_mem>>) attributes {dimension_semantics = [#tpu.dimension_semantics<core_parallel>, #tpu.dimension_semantics<subcore_parallel>], iteration_bounds = array<i64: 2, 16>, scalar_prefetch = 0 : i64, scratch_operands = 4 : i64, tpu.core_type = #tpu.core_type<sc_vector_subcore>, window_params = [{transform_indices = #map}, {transform_indices = #map}, {transform_indices = #map1}]} {
    %mul3A = arith.constant 2 : i32
    %mul3A_0 = arith.muli %arg1, %mul3A : i32
    %add3A = arith.addi %mul3A_0, %arg0 : i32
    %mul3A_1 = arith.constant 256 : i32
    %mul3A_2 = arith.muli %add3A, %mul3A_1 : i32
    "tpu.region"() ({
      %run_scoped3A = tpu.sem_alloc : memref<!tpu.dma_semaphore, #tpu.memory_space<semaphore_mem>>
      %dma_start3A_90 = arith.constant 0 : i32
      %dma_start3A_91 = tpu.memref_slice %arg3[%mul3A_2, %dma_start3A_90] : memref<8192x128xi32, #tpu.memory_space<hbm>> -> memref<256x128xi32, #tpu.memory_space<hbm>>
      %dma_start3A_92 = arith.constant 0 : i32
      %dma_start3A_93 = tpu.memref_slice %arg3[%mul3A_2, %dma_start3A_92] : memref<8192x128xi32, #tpu.memory_space<hbm>> -> memref<256x128xi32, #tpu.memory_space<hbm>>
      tpu.enqueue_dma source(%dma_start3A_93 : memref<256x128xi32, #tpu.memory_space<hbm>>) target(%arg5 : memref<256x128xi32, #tpu.memory_space<vmem>>) target_semaphore(%run_scoped3A : memref<!tpu.dma_semaphore, #tpu.memory_space<semaphore_mem>>)
      %dma_wait3A_94 = arith.constant 0 : i32
      %dma_wait3A_95 = tpu.memref_slice %arg3[%mul3A_2, %dma_wait3A_94] : memref<8192x128xi32, #tpu.memory_space<hbm>> -> memref<256x128xi32, #tpu.memory_space<hbm>>
      %dma_wait3A_96 = arith.constant 0 : i32
      %dma_wait3A_97 = tpu.memref_slice %arg3[%mul3A_2, %dma_wait3A_96] : memref<8192x128xi32, #tpu.memory_space<hbm>> -> memref<256x128xi32, #tpu.memory_space<hbm>>
      tpu.wait_dma2 semaphore(%run_scoped3A : memref<!tpu.dma_semaphore, #tpu.memory_space<semaphore_mem>>) src(%dma_wait3A_97 : memref<256x128xi32, #tpu.memory_space<hbm>>) dst(%arg5 : memref<256x128xi32, #tpu.memory_space<vmem>>)
      tpu.yield
    }) : () -> ()
    %dma_start3A = arith.constant 0 : i32
    %dma_start3A_3 = arith.constant 0 : i32
    %dma_start3A_4 = arith.constant 0 : i32
    %dma_start3A_5 = arith.constant 0 : i32
    %dma_start3A_6 = tpu.memref_slice %arg6[%dma_start3A_3, %dma_start3A_4, %dma_start3A_5] : memref<2x512x64xf32, #tpu.memory_space<vmem>> -> memref<1x128x64xf32, #tpu.memory_space<vmem>>
    %dma_start3A_7 = tpu.memref_squeeze %dma_start3A_6 : memref<1x128x64xf32, #tpu.memory_space<vmem>> -> memref<128x64xf32, #tpu.memory_space<vmem>>
    %dma_start3A_8 = arith.constant 0 : i32
    %dma_start3A_9 = tpu.memref_slice %arg5[%dma_start3A, %dma_start3A_8] : memref<256x128xi32, #tpu.memory_space<vmem>> -> memref<1x128xi32, #tpu.memory_space<vmem>>
    %dma_start3A_10 = tpu.memref_squeeze %dma_start3A_9 : memref<1x128xi32, #tpu.memory_space<vmem>> -> memref<128xi32, #tpu.memory_space<vmem>>
    %dma_start3A_11 = arith.constant 0 : i32
    %dma_start3A_12 = arith.constant 0 : i32
    %dma_start3A_13 = tpu.memref_slice %arg2[%dma_start3A_11, %dma_start3A_12] : memref<1000000x64xf32, #tpu.memory_space<hbm>> -> memref<1000000x64xf32, #tpu.memory_space<hbm>>
    tpu.enqueue_indirect_dma source(%dma_start3A_13 : memref<1000000x64xf32, #tpu.memory_space<hbm>>) target(%dma_start3A_7 : memref<128x64xf32, #tpu.memory_space<vmem>>) offsets(%dma_start3A_10 : memref<128xi32, #tpu.memory_space<vmem>>) semaphore(%arg7 : memref<!tpu.dma_semaphore, #tpu.memory_space<semaphore_mem>>)
    %dma_start3A_14 = arith.constant 1 : i32
    %dma_start3A_15 = arith.constant 0 : i32
    %dma_start3A_16 = arith.constant 128 : i32
    %dma_start3A_17 = arith.constant 0 : i32
    %dma_start3A_18 = tpu.memref_slice %arg6[%dma_start3A_15, %dma_start3A_16, %dma_start3A_17] : memref<2x512x64xf32, #tpu.memory_space<vmem>> -> memref<1x128x64xf32, #tpu.memory_space<vmem>>
    %dma_start3A_19 = tpu.memref_squeeze %dma_start3A_18 : memref<1x128x64xf32, #tpu.memory_space<vmem>> -> memref<128x64xf32, #tpu.memory_space<vmem>>
    %dma_start3A_20 = arith.constant 0 : i32
    %dma_start3A_21 = tpu.memref_slice %arg5[%dma_start3A_14, %dma_start3A_20] : memref<256x128xi32, #tpu.memory_space<vmem>> -> memref<1x128xi32, #tpu.memory_space<vmem>>
    %dma_start3A_22 = tpu.memref_squeeze %dma_start3A_21 : memref<1x128xi32, #tpu.memory_space<vmem>> -> memref<128xi32, #tpu.memory_space<vmem>>
    %dma_start3A_23 = arith.constant 0 : i32
    %dma_start3A_24 = arith.constant 0 : i32
    %dma_start3A_25 = tpu.memref_slice %arg2[%dma_start3A_23, %dma_start3A_24] : memref<1000000x64xf32, #tpu.memory_space<hbm>> -> memref<1000000x64xf32, #tpu.memory_space<hbm>>
    tpu.enqueue_indirect_dma source(%dma_start3A_25 : memref<1000000x64xf32, #tpu.memory_space<hbm>>) target(%dma_start3A_19 : memref<128x64xf32, #tpu.memory_space<vmem>>) offsets(%dma_start3A_22 : memref<128xi32, #tpu.memory_space<vmem>>) semaphore(%arg7 : memref<!tpu.dma_semaphore, #tpu.memory_space<semaphore_mem>>)
    %dma_start3A_26 = arith.constant 2 : i32
    %dma_start3A_27 = arith.constant 0 : i32
    %dma_start3A_28 = arith.constant 256 : i32
    %dma_start3A_29 = arith.constant 0 : i32
    %dma_start3A_30 = tpu.memref_slice %arg6[%dma_start3A_27, %dma_start3A_28, %dma_start3A_29] : memref<2x512x64xf32, #tpu.memory_space<vmem>> -> memref<1x128x64xf32, #tpu.memory_space<vmem>>
    %dma_start3A_31 = tpu.memref_squeeze %dma_start3A_30 : memref<1x128x64xf32, #tpu.memory_space<vmem>> -> memref<128x64xf32, #tpu.memory_space<vmem>>
    %dma_start3A_32 = arith.constant 0 : i32
    %dma_start3A_33 = tpu.memref_slice %arg5[%dma_start3A_26, %dma_start3A_32] : memref<256x128xi32, #tpu.memory_space<vmem>> -> memref<1x128xi32, #tpu.memory_space<vmem>>
    %dma_start3A_34 = tpu.memref_squeeze %dma_start3A_33 : memref<1x128xi32, #tpu.memory_space<vmem>> -> memref<128xi32, #tpu.memory_space<vmem>>
    %dma_start3A_35 = arith.constant 0 : i32
    %dma_start3A_36 = arith.constant 0 : i32
    %dma_start3A_37 = tpu.memref_slice %arg2[%dma_start3A_35, %dma_start3A_36] : memref<1000000x64xf32, #tpu.memory_space<hbm>> -> memref<1000000x64xf32, #tpu.memory_space<hbm>>
    tpu.enqueue_indirect_dma source(%dma_start3A_37 : memref<1000000x64xf32, #tpu.memory_space<hbm>>) target(%dma_start3A_31 : memref<128x64xf32, #tpu.memory_space<vmem>>) offsets(%dma_start3A_34 : memref<128xi32, #tpu.memory_space<vmem>>) semaphore(%arg7 : memref<!tpu.dma_semaphore, #tpu.memory_space<semaphore_mem>>)
    %dma_start3A_38 = arith.constant 3 : i32
    %dma_start3A_39 = arith.constant 0 : i32
    %dma_start3A_40 = arith.constant 384 : i32
    %dma_start3A_41 = arith.constant 0 : i32
    %dma_start3A_42 = tpu.memref_slice %arg6[%dma_start3A_39, %dma_start3A_40, %dma_start3A_41] : memref<2x512x64xf32, #tpu.memory_space<vmem>> -> memref<1x128x64xf32, #tpu.memory_space<vmem>>
    %dma_start3A_43 = tpu.memref_squeeze %dma_start3A_42 : memref<1x128x64xf32, #tpu.memory_space<vmem>> -> memref<128x64xf32, #tpu.memory_space<vmem>>
    %dma_start3A_44 = arith.constant 0 : i32
    %dma_start3A_45 = tpu.memref_slice %arg5[%dma_start3A_38, %dma_start3A_44] : memref<256x128xi32, #tpu.memory_space<vmem>> -> memref<1x128xi32, #tpu.memory_space<vmem>>
    %dma_start3A_46 = tpu.memref_squeeze %dma_start3A_45 : memref<1x128xi32, #tpu.memory_space<vmem>> -> memref<128xi32, #tpu.memory_space<vmem>>
    %dma_start3A_47 = arith.constant 0 : i32
    %dma_start3A_48 = arith.constant 0 : i32
    %dma_start3A_49 = tpu.memref_slice %arg2[%dma_start3A_47, %dma_start3A_48] : memref<1000000x64xf32, #tpu.memory_space<hbm>> -> memref<1000000x64xf32, #tpu.memory_space<hbm>>
    tpu.enqueue_indirect_dma source(%dma_start3A_49 : memref<1000000x64xf32, #tpu.memory_space<hbm>>) target(%dma_start3A_43 : memref<128x64xf32, #tpu.memory_space<vmem>>) offsets(%dma_start3A_46 : memref<128xi32, #tpu.memory_space<vmem>>) semaphore(%arg7 : memref<!tpu.dma_semaphore, #tpu.memory_space<semaphore_mem>>)
    %scan3A = arith.constant 0 : i32
    %scan3A_50 = arith.constant 0 : i32
    %scan3A_51 = arith.constant 32 : i32
    %scan3A_52 = arith.addi %scan3A_50, %scan3A_51 : i32
    %scan3A_53 = arith.constant 1 : i32
    scf.for %scan3A_90 = %scan3A_50 to %scan3A_52 step %scan3A_53  : i32 {
      %mul3A_91 = arith.constant 2 : i32
      %mul3A_92 = arith.muli %mul3A_91, %scan3A_90 : i32
      %add3A_93 = arith.constant 0 : i32
      %add3A_94 = arith.addi %mul3A_92, %add3A_93 : i32
      %add3A_95 = arith.constant 1 : i32
      %add3A_96 = arith.addi %add3A_94, %add3A_95 : i32
      %lt3A = arith.constant 64 : i32
      %lt3A_97 = arith.cmpi slt, %add3A_96, %lt3A : i32
      %convert_element_type3A = arith.extui %lt3A_97 : i1 to i32
      %cond3A = arith.constant 0 : i32
      %cond3A_98 = arith.cmpi ne, %convert_element_type3A, %cond3A : i32
      scf.if %cond3A_98 {
        %ge3A = arith.constant 1 : i32
        %ge3A_251 = arith.cmpi sge, %add3A_94, %ge3A : i32
        %convert_element_type3A_252 = arith.extui %ge3A_251 : i1 to i32
        %cond3A_253 = arith.constant 0 : i32
        %cond3A_254 = arith.cmpi ne, %convert_element_type3A_252, %cond3A_253 : i32
        scf.if %cond3A_254 {
          %dma_wait3A_317 = arith.constant 1 : i32
          %dma_wait3A_318 = arith.constant 0 : i32
          %dma_wait3A_319 = arith.constant 0 : i32
          %dma_wait3A_320 = arith.constant 0 : i32
          %dma_wait3A_321 = tpu.memref_slice %arg6[%dma_wait3A_317, %dma_wait3A_319, %dma_wait3A_320] : memref<2x512x64xf32, #tpu.memory_space<vmem>> -> memref<1x512x64xf32, #tpu.memory_space<vmem>>
          %dma_wait3A_322 = tpu.memref_squeeze %dma_wait3A_321 : memref<1x512x64xf32, #tpu.memory_space<vmem>> -> memref<512x64xf32, #tpu.memory_space<vmem>>
          %dma_wait3A_323 = arith.constant 0 : i32
          %dma_wait3A_324 = arith.constant 0 : i32
          %dma_wait3A_325 = tpu.memref_slice %arg4[%dma_wait3A_318, %dma_wait3A_323, %dma_wait3A_324] : memref<1024x1024x128xf32, #tpu.memory_space<hbm>> -> memref<1x512x64xf32, #tpu.memory_space<hbm>>
          %dma_wait3A_326 = tpu.memref_squeeze %dma_wait3A_325 : memref<1x512x64xf32, #tpu.memory_space<hbm>> -> memref<512x64xf32, #tpu.memory_space<hbm>>
          %dma_wait3A_327 = arith.constant 0 : i32
          %dma_wait3A_328 = arith.constant 0 : i32
          %dma_wait3A_329 = tpu.memref_slice %arg4[%dma_wait3A_318, %dma_wait3A_327, %dma_wait3A_328] : memref<1024x1024x128xf32, #tpu.memory_space<hbm>> -> memref<1x512x64xf32, #tpu.memory_space<hbm>>
          %dma_wait3A_330 = tpu.memref_squeeze %dma_wait3A_329 : memref<1x512x64xf32, #tpu.memory_space<hbm>> -> memref<512x64xf32, #tpu.memory_space<hbm>>
          %dma_wait3A_331 = arith.constant 0 : i32
          %dma_wait3A_332 = arith.constant 0 : i32
          %dma_wait3A_333 = tpu.memref_slice %arg6[%dma_wait3A_317, %dma_wait3A_331, %dma_wait3A_332] : memref<2x512x64xf32, #tpu.memory_space<vmem>> -> memref<1x512x64xf32, #tpu.memory_space<vmem>>
          %dma_wait3A_334 = tpu.memref_squeeze %dma_wait3A_333 : memref<1x512x64xf32, #tpu.memory_space<vmem>> -> memref<512x64xf32, #tpu.memory_space<vmem>>
          tpu.wait_dma2 semaphore(%arg8 : memref<!tpu.dma_semaphore, #tpu.memory_space<semaphore_mem>>) src(%dma_wait3A_334 : memref<512x64xf32, #tpu.memory_space<vmem>>) dst(%dma_wait3A_330 : memref<512x64xf32, #tpu.memory_space<hbm>>)
        } else {
        }
        %add3A_255 = arith.constant 1 : i32
        %add3A_256 = arith.addi %add3A_94, %add3A_255 : i32
        %mul3A_257 = arith.constant 4 : i32
        %mul3A_258 = arith.muli %add3A_256, %mul3A_257 : i32
        %add3A_259 = arith.constant 0 : i32
        %add3A_260 = arith.addi %mul3A_258, %add3A_259 : i32
        %dma_start3A_261 = arith.constant 1 : i32
        %dma_start3A_262 = arith.constant 0 : i32
        %dma_start3A_263 = arith.constant 0 : i32
        %dma_start3A_264 = tpu.memref_slice %arg6[%dma_start3A_261, %dma_start3A_262, %dma_start3A_263] : memref<2x512x64xf32, #tpu.memory_space<vmem>> -> memref<1x128x64xf32, #tpu.memory_space<vmem>>
        %dma_start3A_265 = tpu.memref_squeeze %dma_start3A_264 : memref<1x128x64xf32, #tpu.memory_space<vmem>> -> memref<128x64xf32, #tpu.memory_space<vmem>>
        %dma_start3A_266 = arith.constant 0 : i32
        %dma_start3A_267 = tpu.memref_slice %arg5[%add3A_260, %dma_start3A_266] : memref<256x128xi32, #tpu.memory_space<vmem>> -> memref<1x128xi32, #tpu.memory_space<vmem>>
        %dma_start3A_268 = tpu.memref_squeeze %dma_start3A_267 : memref<1x128xi32, #tpu.memory_space<vmem>> -> memref<128xi32, #tpu.memory_space<vmem>>
        %dma_start3A_269 = arith.constant 0 : i32
        %dma_start3A_270 = arith.constant 0 : i32
        %dma_start3A_271 = tpu.memref_slice %arg2[%dma_start3A_269, %dma_start3A_270] : memref<1000000x64xf32, #tpu.memory_space<hbm>> -> memref<1000000x64xf32, #tpu.memory_space<hbm>>
        tpu.enqueue_indirect_dma source(%dma_start3A_271 : memref<1000000x64xf32, #tpu.memory_space<hbm>>) target(%dma_start3A_265 : memref<128x64xf32, #tpu.memory_space<vmem>>) offsets(%dma_start3A_268 : memref<128xi32, #tpu.memory_space<vmem>>) semaphore(%arg7 : memref<!tpu.dma_semaphore, #tpu.memory_space<semaphore_mem>>)
        %mul3A_272 = arith.constant 4 : i32
        %mul3A_273 = arith.muli %add3A_256, %mul3A_272 : i32
        %add3A_274 = arith.constant 1 : i32
        %add3A_275 = arith.addi %mul3A_273, %add3A_274 : i32
        %dma_start3A_276 = arith.constant 1 : i32
        %dma_start3A_277 = arith.constant 128 : i32
        %dma_start3A_278 = arith.constant 0 : i32
        %dma_start3A_279 = tpu.memref_slice %arg6[%dma_start3A_276, %dma_start3A_277, %dma_start3A_278] : memref<2x512x64xf32, #tpu.memory_space<vmem>> -> memref<1x128x64xf32, #tpu.memory_space<vmem>>
        %dma_start3A_280 = tpu.memref_squeeze %dma_start3A_279 : memref<1x128x64xf32, #tpu.memory_space<vmem>> -> memref<128x64xf32, #tpu.memory_space<vmem>>
        %dma_start3A_281 = arith.constant 0 : i32
        %dma_start3A_282 = tpu.memref_slice %arg5[%add3A_275, %dma_start3A_281] : memref<256x128xi32, #tpu.memory_space<vmem>> -> memref<1x128xi32, #tpu.memory_space<vmem>>
        %dma_start3A_283 = tpu.memref_squeeze %dma_start3A_282 : memref<1x128xi32, #tpu.memory_space<vmem>> -> memref<128xi32, #tpu.memory_space<vmem>>
        %dma_start3A_284 = arith.constant 0 : i32
        %dma_start3A_285 = arith.constant 0 : i32
        %dma_start3A_286 = tpu.memref_slice %arg2[%dma_start3A_284, %dma_start3A_285] : memref<1000000x64xf32, #tpu.memory_space<hbm>> -> memref<1000000x64xf32, #tpu.memory_space<hbm>>
        tpu.enqueue_indirect_dma source(%dma_start3A_286 : memref<1000000x64xf32, #tpu.memory_space<hbm>>) target(%dma_start3A_280 : memref<128x64xf32, #tpu.memory_space<vmem>>) offsets(%dma_start3A_283 : memref<128xi32, #tpu.memory_space<vmem>>) semaphore(%arg7 : memref<!tpu.dma_semaphore, #tpu.memory_space<semaphore_mem>>)
        %mul3A_287 = arith.constant 4 : i32
        %mul3A_288 = arith.muli %add3A_256, %mul3A_287 : i32
        %add3A_289 = arith.constant 2 : i32
        %add3A_290 = arith.addi %mul3A_288, %add3A_289 : i32
        %dma_start3A_291 = arith.constant 1 : i32
        %dma_start3A_292 = arith.constant 256 : i32
        %dma_start3A_293 = arith.constant 0 : i32
        %dma_start3A_294 = tpu.memref_slice %arg6[%dma_start3A_291, %dma_start3A_292, %dma_start3A_293] : memref<2x512x64xf32, #tpu.memory_space<vmem>> -> memref<1x128x64xf32, #tpu.memory_space<vmem>>
        %dma_start3A_295 = tpu.memref_squeeze %dma_start3A_294 : memref<1x128x64xf32, #tpu.memory_space<vmem>> -> memref<128x64xf32, #tpu.memory_space<vmem>>
        %dma_start3A_296 = arith.constant 0 : i32
        %dma_start3A_297 = tpu.memref_slice %arg5[%add3A_290, %dma_start3A_296] : memref<256x128xi32, #tpu.memory_space<vmem>> -> memref<1x128xi32, #tpu.memory_space<vmem>>
        %dma_start3A_298 = tpu.memref_squeeze %dma_start3A_297 : memref<1x128xi32, #tpu.memory_space<vmem>> -> memref<128xi32, #tpu.memory_space<vmem>>
        %dma_start3A_299 = arith.constant 0 : i32
        %dma_start3A_300 = arith.constant 0 : i32
        %dma_start3A_301 = tpu.memref_slice %arg2[%dma_start3A_299, %dma_start3A_300] : memref<1000000x64xf32, #tpu.memory_space<hbm>> -> memref<1000000x64xf32, #tpu.memory_space<hbm>>
        tpu.enqueue_indirect_dma source(%dma_start3A_301 : memref<1000000x64xf32, #tpu.memory_space<hbm>>) target(%dma_start3A_295 : memref<128x64xf32, #tpu.memory_space<vmem>>) offsets(%dma_start3A_298 : memref<128xi32, #tpu.memory_space<vmem>>) semaphore(%arg7 : memref<!tpu.dma_semaphore, #tpu.memory_space<semaphore_mem>>)
        %mul3A_302 = arith.constant 4 : i32
        %mul3A_303 = arith.muli %add3A_256, %mul3A_302 : i32
        %add3A_304 = arith.constant 3 : i32
        %add3A_305 = arith.addi %mul3A_303, %add3A_304 : i32
        %dma_start3A_306 = arith.constant 1 : i32
        %dma_start3A_307 = arith.constant 384 : i32
        %dma_start3A_308 = arith.constant 0 : i32
        %dma_start3A_309 = tpu.memref_slice %arg6[%dma_start3A_306, %dma_start3A_307, %dma_start3A_308] : memref<2x512x64xf32, #tpu.memory_space<vmem>> -> memref<1x128x64xf32, #tpu.memory_space<vmem>>
        %dma_start3A_310 = tpu.memref_squeeze %dma_start3A_309 : memref<1x128x64xf32, #tpu.memory_space<vmem>> -> memref<128x64xf32, #tpu.memory_space<vmem>>
        %dma_start3A_311 = arith.constant 0 : i32
        %dma_start3A_312 = tpu.memref_slice %arg5[%add3A_305, %dma_start3A_311] : memref<256x128xi32, #tpu.memory_space<vmem>> -> memref<1x128xi32, #tpu.memory_space<vmem>>
        %dma_start3A_313 = tpu.memref_squeeze %dma_start3A_312 : memref<1x128xi32, #tpu.memory_space<vmem>> -> memref<128xi32, #tpu.memory_space<vmem>>
        %dma_start3A_314 = arith.constant 0 : i32
        %dma_start3A_315 = arith.constant 0 : i32
        %dma_start3A_316 = tpu.memref_slice %arg2[%dma_start3A_314, %dma_start3A_315] : memref<1000000x64xf32, #tpu.memory_space<hbm>> -> memref<1000000x64xf32, #tpu.memory_space<hbm>>
        tpu.enqueue_indirect_dma source(%dma_start3A_316 : memref<1000000x64xf32, #tpu.memory_space<hbm>>) target(%dma_start3A_310 : memref<128x64xf32, #tpu.memory_space<vmem>>) offsets(%dma_start3A_313 : memref<128xi32, #tpu.memory_space<vmem>>) semaphore(%arg7 : memref<!tpu.dma_semaphore, #tpu.memory_space<semaphore_mem>>)
      } else {
      }
      %dma_wait3A_99 = arith.constant 0 : i32
      %dma_wait3A_100 = arith.constant 0 : i32
      %dma_wait3A_101 = arith.constant 0 : i32
      %dma_wait3A_102 = tpu.memref_slice %arg6[%dma_wait3A_99, %dma_wait3A_100, %dma_wait3A_101] : memref<2x512x64xf32, #tpu.memory_space<vmem>> -> memref<1x512x64xf32, #tpu.memory_space<vmem>>
      %dma_wait3A_103 = tpu.memref_squeeze %dma_wait3A_102 : memref<1x512x64xf32, #tpu.memory_space<vmem>> -> memref<512x64xf32, #tpu.memory_space<vmem>>
      %dma_wait3A_104 = arith.constant 0 : i32
      %dma_wait3A_105 = arith.constant 0 : i32
      %dma_wait3A_106 = tpu.memref_slice %arg2[%dma_wait3A_104, %dma_wait3A_105] : memref<1000000x64xf32, #tpu.memory_space<hbm>> -> memref<512x64xf32, #tpu.memory_space<hbm>>
      %dma_wait3A_107 = arith.constant 0 : i32
      %dma_wait3A_108 = arith.constant 0 : i32
      %dma_wait3A_109 = tpu.memref_slice %arg6[%dma_wait3A_99, %dma_wait3A_107, %dma_wait3A_108] : memref<2x512x64xf32, #tpu.memory_space<vmem>> -> memref<1x512x64xf32, #tpu.memory_space<vmem>>
      %dma_wait3A_110 = tpu.memref_squeeze %dma_wait3A_109 : memref<1x512x64xf32, #tpu.memory_space<vmem>> -> memref<512x64xf32, #tpu.memory_space<vmem>>
      %dma_wait3A_111 = arith.constant 0 : i32
      %dma_wait3A_112 = arith.constant 0 : i32
      %dma_wait3A_113 = tpu.memref_slice %arg2[%dma_wait3A_111, %dma_wait3A_112] : memref<1000000x64xf32, #tpu.memory_space<hbm>> -> memref<512x64xf32, #tpu.memory_space<hbm>>
      tpu.wait_dma2 semaphore(%arg7 : memref<!tpu.dma_semaphore, #tpu.memory_space<semaphore_mem>>) src(%dma_wait3A_113 : memref<512x64xf32, #tpu.memory_space<hbm>>) dst(%dma_wait3A_110 : memref<512x64xf32, #tpu.memory_space<vmem>>)
      %mul3A_114 = arith.constant 4 : i32
      %mul3A_115 = arith.muli %add3A_94, %mul3A_114 : i32
      %add3A_116 = arith.addi %mul3A_2, %mul3A_115 : i32
      %mul3A_117 = arith.constant 128 : i32
      %mul3A_118 = arith.muli %add3A_116, %mul3A_117 : i32
      %jit3A = arith.constant 1024 : i32
      %div3A = arith.divsi %mul3A_118, %jit3A : i32
      %sign3A = arith.constant 0 : i32
      %sign3A_119 = arith.cmpi sgt, %mul3A_118, %sign3A : i32
      %sign3A_120 = arith.extui %sign3A_119 : i1 to i32
      %sign3A_121 = arith.constant 0 : i32
      %sign3A_122 = arith.cmpi slt, %mul3A_118, %sign3A_121 : i32
      %sign3A_123 = arith.extui %sign3A_122 : i1 to i32
      %sign3A_124 = arith.subi %sign3A_120, %sign3A_123 : i32
      %sign3A_125 = arith.constant 0 : i32
      %sign3A_126 = arith.cmpi sgt, %jit3A, %sign3A_125 : i32
      %sign3A_127 = arith.extui %sign3A_126 : i1 to i32
      %sign3A_128 = arith.constant 0 : i32
      %sign3A_129 = arith.cmpi slt, %jit3A, %sign3A_128 : i32
      %sign3A_130 = arith.extui %sign3A_129 : i1 to i32
      %sign3A_131 = arith.subi %sign3A_127, %sign3A_130 : i32
      %ne3A = arith.cmpi ne, %sign3A_124, %sign3A_131 : i32
      %rem3A = arith.remsi %mul3A_118, %jit3A : i32
      %ne3A_132 = arith.constant 0 : i32
      %ne3A_133 = arith.cmpi ne, %rem3A, %ne3A_132 : i32
      %and3A = arith.andi %ne3A, %ne3A_133 : i1
      %sub3A = arith.constant 1 : i32
      %sub3A_134 = arith.subi %div3A, %sub3A : i32
      %select_n3A = arith.select %and3A, %sub3A_134, %div3A : i32
      %jit3A_135 = arith.constant 1024 : i32
      %eq3A = arith.constant 0 : i32
      %eq3A_136 = arith.cmpi eq, %jit3A_135, %eq3A : i32
      %jit3A_137 = arith.constant 1 : i32
      %select_n3A_138 = arith.select %eq3A_136, %jit3A_137, %jit3A_135 : i32
      %rem3A_139 = arith.remsi %mul3A_118, %select_n3A_138 : i32
      %ne3A_140 = arith.constant 0 : i32
      %ne3A_141 = arith.cmpi ne, %rem3A_139, %ne3A_140 : i32
      %lt3A_142 = arith.constant 0 : i32
      %lt3A_143 = arith.cmpi slt, %rem3A_139, %lt3A_142 : i32
      %lt3A_144 = arith.constant 0 : i32
      %lt3A_145 = arith.cmpi slt, %select_n3A_138, %lt3A_144 : i32
      %ne3A_146 = arith.xori %lt3A_143, %lt3A_145 : i1
      %and3A_147 = arith.andi %ne3A_146, %ne3A_141 : i1
      %add3A_148 = arith.addi %rem3A_139, %select_n3A_138 : i32
      %select_n3A_149 = arith.select %and3A_147, %add3A_148, %rem3A_139 : i32
      %dma_start3A_150 = arith.constant 0 : i32
      %dma_start3A_151 = arith.constant 0 : i32
      %dma_start3A_152 = arith.constant 0 : i32
      %dma_start3A_153 = tpu.memref_slice %arg6[%dma_start3A_150, %dma_start3A_151, %dma_start3A_152] : memref<2x512x64xf32, #tpu.memory_space<vmem>> -> memref<1x512x64xf32, #tpu.memory_space<vmem>>
      %dma_start3A_154 = tpu.memref_squeeze %dma_start3A_153 : memref<1x512x64xf32, #tpu.memory_space<vmem>> -> memref<512x64xf32, #tpu.memory_space<vmem>>
      %dma_start3A_155 = arith.constant 0 : i32
      %dma_start3A_156 = tpu.memref_slice %arg4[%select_n3A, %select_n3A_149, %dma_start3A_155] : memref<1024x1024x128xf32, #tpu.memory_space<hbm>> -> memref<1x512x64xf32, #tpu.memory_space<hbm>>
      %dma_start3A_157 = tpu.memref_squeeze %dma_start3A_156 : memref<1x512x64xf32, #tpu.memory_space<hbm>> -> memref<512x64xf32, #tpu.memory_space<hbm>>
      %dma_start3A_158 = arith.constant 0 : i32
      %dma_start3A_159 = tpu.memref_slice %arg4[%select_n3A, %select_n3A_149, %dma_start3A_158] : memref<1024x1024x128xf32, #tpu.memory_space<hbm>> -> memref<1x512x64xf32, #tpu.memory_space<hbm>>
      %dma_start3A_160 = tpu.memref_squeeze %dma_start3A_159 : memref<1x512x64xf32, #tpu.memory_space<hbm>> -> memref<512x64xf32, #tpu.memory_space<hbm>>
      %dma_start3A_161 = arith.constant 0 : i32
      %dma_start3A_162 = arith.constant 0 : i32
      %dma_start3A_163 = tpu.memref_slice %arg6[%dma_start3A_150, %dma_start3A_161, %dma_start3A_162] : memref<2x512x64xf32, #tpu.memory_space<vmem>> -> memref<1x512x64xf32, #tpu.memory_space<vmem>>
      %dma_start3A_164 = tpu.memref_squeeze %dma_start3A_163 : memref<1x512x64xf32, #tpu.memory_space<vmem>> -> memref<512x64xf32, #tpu.memory_space<vmem>>
      tpu.enqueue_dma source(%dma_start3A_164 : memref<512x64xf32, #tpu.memory_space<vmem>>) target(%dma_start3A_160 : memref<512x64xf32, #tpu.memory_space<hbm>>) target_semaphore(%arg8 : memref<!tpu.dma_semaphore, #tpu.memory_space<semaphore_mem>>)
      %mul3A_165 = arith.constant 2 : i32
      %mul3A_166 = arith.muli %mul3A_165, %scan3A_90 : i32
      %add3A_167 = arith.constant 1 : i32
      %add3A_168 = arith.addi %mul3A_166, %add3A_167 : i32
      %add3A_169 = arith.constant 1 : i32
      %add3A_170 = arith.addi %add3A_168, %add3A_169 : i32
      %lt3A_171 = arith.constant 64 : i32
      %lt3A_172 = arith.cmpi slt, %add3A_170, %lt3A_171 : i32
      %convert_element_type3A_173 = arith.extui %lt3A_172 : i1 to i32
      %cond3A_174 = arith.constant 0 : i32
      %cond3A_175 = arith.cmpi ne, %convert_element_type3A_173, %cond3A_174 : i32
      scf.if %cond3A_175 {
        %dma_wait3A_251 = arith.constant 0 : i32
        %dma_wait3A_252 = arith.constant 0 : i32
        %dma_wait3A_253 = arith.constant 0 : i32
        %dma_wait3A_254 = arith.constant 0 : i32
        %dma_wait3A_255 = tpu.memref_slice %arg6[%dma_wait3A_251, %dma_wait3A_253, %dma_wait3A_254] : memref<2x512x64xf32, #tpu.memory_space<vmem>> -> memref<1x512x64xf32, #tpu.memory_space<vmem>>
        %dma_wait3A_256 = tpu.memref_squeeze %dma_wait3A_255 : memref<1x512x64xf32, #tpu.memory_space<vmem>> -> memref<512x64xf32, #tpu.memory_space<vmem>>
        %dma_wait3A_257 = arith.constant 0 : i32
        %dma_wait3A_258 = arith.constant 0 : i32
        %dma_wait3A_259 = tpu.memref_slice %arg4[%dma_wait3A_252, %dma_wait3A_257, %dma_wait3A_258] : memref<1024x1024x128xf32, #tpu.memory_space<hbm>> -> memref<1x512x64xf32, #tpu.memory_space<hbm>>
        %dma_wait3A_260 = tpu.memref_squeeze %dma_wait3A_259 : memref<1x512x64xf32, #tpu.memory_space<hbm>> -> memref<512x64xf32, #tpu.memory_space<hbm>>
        %dma_wait3A_261 = arith.constant 0 : i32
        %dma_wait3A_262 = arith.constant 0 : i32
        %dma_wait3A_263 = tpu.memref_slice %arg4[%dma_wait3A_252, %dma_wait3A_261, %dma_wait3A_262] : memref<1024x1024x128xf32, #tpu.memory_space<hbm>> -> memref<1x512x64xf32, #tpu.memory_space<hbm>>
        %dma_wait3A_264 = tpu.memref_squeeze %dma_wait3A_263 : memref<1x512x64xf32, #tpu.memory_space<hbm>> -> memref<512x64xf32, #tpu.memory_space<hbm>>
        %dma_wait3A_265 = arith.constant 0 : i32
        %dma_wait3A_266 = arith.constant 0 : i32
        %dma_wait3A_267 = tpu.memref_slice %arg6[%dma_wait3A_251, %dma_wait3A_265, %dma_wait3A_266] : memref<2x512x64xf32, #tpu.memory_space<vmem>> -> memref<1x512x64xf32, #tpu.memory_space<vmem>>
        %dma_wait3A_268 = tpu.memref_squeeze %dma_wait3A_267 : memref<1x512x64xf32, #tpu.memory_space<vmem>> -> memref<512x64xf32, #tpu.memory_space<vmem>>
        tpu.wait_dma2 semaphore(%arg8 : memref<!tpu.dma_semaphore, #tpu.memory_space<semaphore_mem>>) src(%dma_wait3A_268 : memref<512x64xf32, #tpu.memory_space<vmem>>) dst(%dma_wait3A_264 : memref<512x64xf32, #tpu.memory_space<hbm>>)
        %add3A_269 = arith.constant 1 : i32
        %add3A_270 = arith.addi %add3A_168, %add3A_269 : i32
        %mul3A_271 = arith.constant 4 : i32
        %mul3A_272 = arith.muli %add3A_270, %mul3A_271 : i32
        %add3A_273 = arith.constant 0 : i32
        %add3A_274 = arith.addi %mul3A_272, %add3A_273 : i32
        %dma_start3A_275 = arith.constant 0 : i32
        %dma_start3A_276 = arith.constant 0 : i32
        %dma_start3A_277 = arith.constant 0 : i32
        %dma_start3A_278 = tpu.memref_slice %arg6[%dma_start3A_275, %dma_start3A_276, %dma_start3A_277] : memref<2x512x64xf32, #tpu.memory_space<vmem>> -> memref<1x128x64xf32, #tpu.memory_space<vmem>>
        %dma_start3A_279 = tpu.memref_squeeze %dma_start3A_278 : memref<1x128x64xf32, #tpu.memory_space<vmem>> -> memref<128x64xf32, #tpu.memory_space<vmem>>
        %dma_start3A_280 = arith.constant 0 : i32
        %dma_start3A_281 = tpu.memref_slice %arg5[%add3A_274, %dma_start3A_280] : memref<256x128xi32, #tpu.memory_space<vmem>> -> memref<1x128xi32, #tpu.memory_space<vmem>>
        %dma_start3A_282 = tpu.memref_squeeze %dma_start3A_281 : memref<1x128xi32, #tpu.memory_space<vmem>> -> memref<128xi32, #tpu.memory_space<vmem>>
        %dma_start3A_283 = arith.constant 0 : i32
        %dma_start3A_284 = arith.constant 0 : i32
        %dma_start3A_285 = tpu.memref_slice %arg2[%dma_start3A_283, %dma_start3A_284] : memref<1000000x64xf32, #tpu.memory_space<hbm>> -> memref<1000000x64xf32, #tpu.memory_space<hbm>>
        tpu.enqueue_indirect_dma source(%dma_start3A_285 : memref<1000000x64xf32, #tpu.memory_space<hbm>>) target(%dma_start3A_279 : memref<128x64xf32, #tpu.memory_space<vmem>>) offsets(%dma_start3A_282 : memref<128xi32, #tpu.memory_space<vmem>>) semaphore(%arg7 : memref<!tpu.dma_semaphore, #tpu.memory_space<semaphore_mem>>)
        %mul3A_286 = arith.constant 4 : i32
        %mul3A_287 = arith.muli %add3A_270, %mul3A_286 : i32
        %add3A_288 = arith.constant 1 : i32
        %add3A_289 = arith.addi %mul3A_287, %add3A_288 : i32
        %dma_start3A_290 = arith.constant 0 : i32
        %dma_start3A_291 = arith.constant 128 : i32
        %dma_start3A_292 = arith.constant 0 : i32
        %dma_start3A_293 = tpu.memref_slice %arg6[%dma_start3A_290, %dma_start3A_291, %dma_start3A_292] : memref<2x512x64xf32, #tpu.memory_space<vmem>> -> memref<1x128x64xf32, #tpu.memory_space<vmem>>
        %dma_start3A_294 = tpu.memref_squeeze %dma_start3A_293 : memref<1x128x64xf32, #tpu.memory_space<vmem>> -> memref<128x64xf32, #tpu.memory_space<vmem>>
        %dma_start3A_295 = arith.constant 0 : i32
        %dma_start3A_296 = tpu.memref_slice %arg5[%add3A_289, %dma_start3A_295] : memref<256x128xi32, #tpu.memory_space<vmem>> -> memref<1x128xi32, #tpu.memory_space<vmem>>
        %dma_start3A_297 = tpu.memref_squeeze %dma_start3A_296 : memref<1x128xi32, #tpu.memory_space<vmem>> -> memref<128xi32, #tpu.memory_space<vmem>>
        %dma_start3A_298 = arith.constant 0 : i32
        %dma_start3A_299 = arith.constant 0 : i32
        %dma_start3A_300 = tpu.memref_slice %arg2[%dma_start3A_298, %dma_start3A_299] : memref<1000000x64xf32, #tpu.memory_space<hbm>> -> memref<1000000x64xf32, #tpu.memory_space<hbm>>
        tpu.enqueue_indirect_dma source(%dma_start3A_300 : memref<1000000x64xf32, #tpu.memory_space<hbm>>) target(%dma_start3A_294 : memref<128x64xf32, #tpu.memory_space<vmem>>) offsets(%dma_start3A_297 : memref<128xi32, #tpu.memory_space<vmem>>) semaphore(%arg7 : memref<!tpu.dma_semaphore, #tpu.memory_space<semaphore_mem>>)
        %mul3A_301 = arith.constant 4 : i32
        %mul3A_302 = arith.muli %add3A_270, %mul3A_301 : i32
        %add3A_303 = arith.constant 2 : i32
        %add3A_304 = arith.addi %mul3A_302, %add3A_303 : i32
        %dma_start3A_305 = arith.constant 0 : i32
        %dma_start3A_306 = arith.constant 256 : i32
        %dma_start3A_307 = arith.constant 0 : i32
        %dma_start3A_308 = tpu.memref_slice %arg6[%dma_start3A_305, %dma_start3A_306, %dma_start3A_307] : memref<2x512x64xf32, #tpu.memory_space<vmem>> -> memref<1x128x64xf32, #tpu.memory_space<vmem>>
        %dma_start3A_309 = tpu.memref_squeeze %dma_start3A_308 : memref<1x128x64xf32, #tpu.memory_space<vmem>> -> memref<128x64xf32, #tpu.memory_space<vmem>>
        %dma_start3A_310 = arith.constant 0 : i32
        %dma_start3A_311 = tpu.memref_slice %arg5[%add3A_304, %dma_start3A_310] : memref<256x128xi32, #tpu.memory_space<vmem>> -> memref<1x128xi32, #tpu.memory_space<vmem>>
        %dma_start3A_312 = tpu.memref_squeeze %dma_start3A_311 : memref<1x128xi32, #tpu.memory_space<vmem>> -> memref<128xi32, #tpu.memory_space<vmem>>
        %dma_start3A_313 = arith.constant 0 : i32
        %dma_start3A_314 = arith.constant 0 : i32
        %dma_start3A_315 = tpu.memref_slice %arg2[%dma_start3A_313, %dma_start3A_314] : memref<1000000x64xf32, #tpu.memory_space<hbm>> -> memref<1000000x64xf32, #tpu.memory_space<hbm>>
        tpu.enqueue_indirect_dma source(%dma_start3A_315 : memref<1000000x64xf32, #tpu.memory_space<hbm>>) target(%dma_start3A_309 : memref<128x64xf32, #tpu.memory_space<vmem>>) offsets(%dma_start3A_312 : memref<128xi32, #tpu.memory_space<vmem>>) semaphore(%arg7 : memref<!tpu.dma_semaphore, #tpu.memory_space<semaphore_mem>>)
        %mul3A_316 = arith.constant 4 : i32
        %mul3A_317 = arith.muli %add3A_270, %mul3A_316 : i32
        %add3A_318 = arith.constant 3 : i32
        %add3A_319 = arith.addi %mul3A_317, %add3A_318 : i32
        %dma_start3A_320 = arith.constant 0 : i32
        %dma_start3A_321 = arith.constant 384 : i32
        %dma_start3A_322 = arith.constant 0 : i32
        %dma_start3A_323 = tpu.memref_slice %arg6[%dma_start3A_320, %dma_start3A_321, %dma_start3A_322] : memref<2x512x64xf32, #tpu.memory_space<vmem>> -> memref<1x128x64xf32, #tpu.memory_space<vmem>>
        %dma_start3A_324 = tpu.memref_squeeze %dma_start3A_323 : memref<1x128x64xf32, #tpu.memory_space<vmem>> -> memref<128x64xf32, #tpu.memory_space<vmem>>
        %dma_start3A_325 = arith.constant 0 : i32
        %dma_start3A_326 = tpu.memref_slice %arg5[%add3A_319, %dma_start3A_325] : memref<256x128xi32, #tpu.memory_space<vmem>> -> memref<1x128xi32, #tpu.memory_space<vmem>>
        %dma_start3A_327 = tpu.memref_squeeze %dma_start3A_326 : memref<1x128xi32, #tpu.memory_space<vmem>> -> memref<128xi32, #tpu.memory_space<vmem>>
        %dma_start3A_328 = arith.constant 0 : i32
        %dma_start3A_329 = arith.constant 0 : i32
        %dma_start3A_330 = tpu.memref_slice %arg2[%dma_start3A_328, %dma_start3A_329] : memref<1000000x64xf32, #tpu.memory_space<hbm>> -> memref<1000000x64xf32, #tpu.memory_space<hbm>>
        tpu.enqueue_indirect_dma source(%dma_start3A_330 : memref<1000000x64xf32, #tpu.memory_space<hbm>>) target(%dma_start3A_324 : memref<128x64xf32, #tpu.memory_space<vmem>>) offsets(%dma_start3A_327 : memref<128xi32, #tpu.memory_space<vmem>>) semaphore(%arg7 : memref<!tpu.dma_semaphore, #tpu.memory_space<semaphore_mem>>)
      } else {
      }
      %dma_wait3A_176 = arith.constant 1 : i32
      %dma_wait3A_177 = arith.constant 0 : i32
      %dma_wait3A_178 = arith.constant 0 : i32
      %dma_wait3A_179 = tpu.memref_slice %arg6[%dma_wait3A_176, %dma_wait3A_177, %dma_wait3A_178] : memref<2x512x64xf32, #tpu.memory_space<vmem>> -> memref<1x512x64xf32, #tpu.memory_space<vmem>>
      %dma_wait3A_180 = tpu.memref_squeeze %dma_wait3A_179 : memref<1x512x64xf32, #tpu.memory_space<vmem>> -> memref<512x64xf32, #tpu.memory_space<vmem>>
      %dma_wait3A_181 = arith.constant 0 : i32
      %dma_wait3A_182 = arith.constant 0 : i32
      %dma_wait3A_183 = tpu.memref_slice %arg2[%dma_wait3A_181, %dma_wait3A_182] : memref<1000000x64xf32, #tpu.memory_space<hbm>> -> memref<512x64xf32, #tpu.memory_space<hbm>>
      %dma_wait3A_184 = arith.constant 0 : i32
      %dma_wait3A_185 = arith.constant 0 : i32
      %dma_wait3A_186 = tpu.memref_slice %arg6[%dma_wait3A_176, %dma_wait3A_184, %dma_wait3A_185] : memref<2x512x64xf32, #tpu.memory_space<vmem>> -> memref<1x512x64xf32, #tpu.memory_space<vmem>>
      %dma_wait3A_187 = tpu.memref_squeeze %dma_wait3A_186 : memref<1x512x64xf32, #tpu.memory_space<vmem>> -> memref<512x64xf32, #tpu.memory_space<vmem>>
      %dma_wait3A_188 = arith.constant 0 : i32
      %dma_wait3A_189 = arith.constant 0 : i32
      %dma_wait3A_190 = tpu.memref_slice %arg2[%dma_wait3A_188, %dma_wait3A_189] : memref<1000000x64xf32, #tpu.memory_space<hbm>> -> memref<512x64xf32, #tpu.memory_space<hbm>>
      tpu.wait_dma2 semaphore(%arg7 : memref<!tpu.dma_semaphore, #tpu.memory_space<semaphore_mem>>) src(%dma_wait3A_190 : memref<512x64xf32, #tpu.memory_space<hbm>>) dst(%dma_wait3A_187 : memref<512x64xf32, #tpu.memory_space<vmem>>)
      %mul3A_191 = arith.constant 4 : i32
      %mul3A_192 = arith.muli %add3A_168, %mul3A_191 : i32
      %add3A_193 = arith.addi %mul3A_2, %mul3A_192 : i32
      %mul3A_194 = arith.constant 128 : i32
      %mul3A_195 = arith.muli %add3A_193, %mul3A_194 : i32
      %jit3A_196 = arith.constant 1024 : i32
      %div3A_197 = arith.divsi %mul3A_195, %jit3A_196 : i32
      %sign3A_198 = arith.constant 0 : i32
      %sign3A_199 = arith.cmpi sgt, %mul3A_195, %sign3A_198 : i32
      %sign3A_200 = arith.extui %sign3A_199 : i1 to i32
      %sign3A_201 = arith.constant 0 : i32
      %sign3A_202 = arith.cmpi slt, %mul3A_195, %sign3A_201 : i32
      %sign3A_203 = arith.extui %sign3A_202 : i1 to i32
      %sign3A_204 = arith.subi %sign3A_200, %sign3A_203 : i32
      %sign3A_205 = arith.constant 0 : i32
      %sign3A_206 = arith.cmpi sgt, %jit3A_196, %sign3A_205 : i32
      %sign3A_207 = arith.extui %sign3A_206 : i1 to i32
      %sign3A_208 = arith.constant 0 : i32
      %sign3A_209 = arith.cmpi slt, %jit3A_196, %sign3A_208 : i32
      %sign3A_210 = arith.extui %sign3A_209 : i1 to i32
      %sign3A_211 = arith.subi %sign3A_207, %sign3A_210 : i32
      %ne3A_212 = arith.cmpi ne, %sign3A_204, %sign3A_211 : i32
      %rem3A_213 = arith.remsi %mul3A_195, %jit3A_196 : i32
      %ne3A_214 = arith.constant 0 : i32
      %ne3A_215 = arith.cmpi ne, %rem3A_213, %ne3A_214 : i32
      %and3A_216 = arith.andi %ne3A_212, %ne3A_215 : i1
      %sub3A_217 = arith.constant 1 : i32
      %sub3A_218 = arith.subi %div3A_197, %sub3A_217 : i32
      %select_n3A_219 = arith.select %and3A_216, %sub3A_218, %div3A_197 : i32
      %jit3A_220 = arith.constant 1024 : i32
      %eq3A_221 = arith.constant 0 : i32
      %eq3A_222 = arith.cmpi eq, %jit3A_220, %eq3A_221 : i32
      %jit3A_223 = arith.constant 1 : i32
      %select_n3A_224 = arith.select %eq3A_222, %jit3A_223, %jit3A_220 : i32
      %rem3A_225 = arith.remsi %mul3A_195, %select_n3A_224 : i32
      %ne3A_226 = arith.constant 0 : i32
      %ne3A_227 = arith.cmpi ne, %rem3A_225, %ne3A_226 : i32
      %lt3A_228 = arith.constant 0 : i32
      %lt3A_229 = arith.cmpi slt, %rem3A_225, %lt3A_228 : i32
      %lt3A_230 = arith.constant 0 : i32
      %lt3A_231 = arith.cmpi slt, %select_n3A_224, %lt3A_230 : i32
      %ne3A_232 = arith.xori %lt3A_229, %lt3A_231 : i1
      %and3A_233 = arith.andi %ne3A_232, %ne3A_227 : i1
      %add3A_234 = arith.addi %rem3A_225, %select_n3A_224 : i32
      %select_n3A_235 = arith.select %and3A_233, %add3A_234, %rem3A_225 : i32
      %dma_start3A_236 = arith.constant 1 : i32
      %dma_start3A_237 = arith.constant 0 : i32
      %dma_start3A_238 = arith.constant 0 : i32
      %dma_start3A_239 = tpu.memref_slice %arg6[%dma_start3A_236, %dma_start3A_237, %dma_start3A_238] : memref<2x512x64xf32, #tpu.memory_space<vmem>> -> memref<1x512x64xf32, #tpu.memory_space<vmem>>
      %dma_start3A_240 = tpu.memref_squeeze %dma_start3A_239 : memref<1x512x64xf32, #tpu.memory_space<vmem>> -> memref<512x64xf32, #tpu.memory_space<vmem>>
      %dma_start3A_241 = arith.constant 0 : i32
      %dma_start3A_242 = tpu.memref_slice %arg4[%select_n3A_219, %select_n3A_235, %dma_start3A_241] : memref<1024x1024x128xf32, #tpu.memory_space<hbm>> -> memref<1x512x64xf32, #tpu.memory_space<hbm>>
      %dma_start3A_243 = tpu.memref_squeeze %dma_start3A_242 : memref<1x512x64xf32, #tpu.memory_space<hbm>> -> memref<512x64xf32, #tpu.memory_space<hbm>>
      %dma_start3A_244 = arith.constant 0 : i32
      %dma_start3A_245 = tpu.memref_slice %arg4[%select_n3A_219, %select_n3A_235, %dma_start3A_244] : memref<1024x1024x128xf32, #tpu.memory_space<hbm>> -> memref<1x512x64xf32, #tpu.memory_space<hbm>>
      %dma_start3A_246 = tpu.memref_squeeze %dma_start3A_245 : memref<1x512x64xf32, #tpu.memory_space<hbm>> -> memref<512x64xf32, #tpu.memory_space<hbm>>
      %dma_start3A_247 = arith.constant 0 : i32
      %dma_start3A_248 = arith.constant 0 : i32
      %dma_start3A_249 = tpu.memref_slice %arg6[%dma_start3A_236, %dma_start3A_247, %dma_start3A_248] : memref<2x512x64xf32, #tpu.memory_space<vmem>> -> memref<1x512x64xf32, #tpu.memory_space<vmem>>
      %dma_start3A_250 = tpu.memref_squeeze %dma_start3A_249 : memref<1x512x64xf32, #tpu.memory_space<vmem>> -> memref<512x64xf32, #tpu.memory_space<vmem>>
      tpu.enqueue_dma source(%dma_start3A_250 : memref<512x64xf32, #tpu.memory_space<vmem>>) target(%dma_start3A_246 : memref<512x64xf32, #tpu.memory_space<hbm>>) target_semaphore(%arg8 : memref<!tpu.dma_semaphore, #tpu.memory_space<semaphore_mem>>)
    }
    %scan3A_54 = arith.constant 32 : i32
    %dma_wait3A = arith.constant 0 : i32
    %dma_wait3A_55 = arith.constant 0 : i32
    %dma_wait3A_56 = arith.constant 0 : i32
    %dma_wait3A_57 = arith.constant 0 : i32
    %dma_wait3A_58 = tpu.memref_slice %arg6[%dma_wait3A, %dma_wait3A_56, %dma_wait3A_57] : memref<2x512x64xf32, #tpu.memory_space<vmem>> -> memref<1x512x64xf32, #tpu.memory_space<vmem>>
    %dma_wait3A_59 = tpu.memref_squeeze %dma_wait3A_58 : memref<1x512x64xf32, #tpu.memory_space<vmem>> -> memref<512x64xf32, #tpu.memory_space<vmem>>
    %dma_wait3A_60 = arith.constant 0 : i32
    %dma_wait3A_61 = arith.constant 0 : i32
    %dma_wait3A_62 = tpu.memref_slice %arg4[%dma_wait3A_55, %dma_wait3A_60, %dma_wait3A_61] : memref<1024x1024x128xf32, #tpu.memory_space<hbm>> -> memref<1x512x64xf32, #tpu.memory_space<hbm>>
    %dma_wait3A_63 = tpu.memref_squeeze %dma_wait3A_62 : memref<1x512x64xf32, #tpu.memory_space<hbm>> -> memref<512x64xf32, #tpu.memory_space<hbm>>
    %dma_wait3A_64 = arith.constant 0 : i32
    %dma_wait3A_65 = arith.constant 0 : i32
    %dma_wait3A_66 = tpu.memref_slice %arg4[%dma_wait3A_55, %dma_wait3A_64, %dma_wait3A_65] : memref<1024x1024x128xf32, #tpu.memory_space<hbm>> -> memref<1x512x64xf32, #tpu.memory_space<hbm>>
    %dma_wait3A_67 = tpu.memref_squeeze %dma_wait3A_66 : memref<1x512x64xf32, #tpu.memory_space<hbm>> -> memref<512x64xf32, #tpu.memory_space<hbm>>
    %dma_wait3A_68 = arith.constant 0 : i32
    %dma_wait3A_69 = arith.constant 0 : i32
    %dma_wait3A_70 = tpu.memref_slice %arg6[%dma_wait3A, %dma_wait3A_68, %dma_wait3A_69] : memref<2x512x64xf32, #tpu.memory_space<vmem>> -> memref<1x512x64xf32, #tpu.memory_space<vmem>>
    %dma_wait3A_71 = tpu.memref_squeeze %dma_wait3A_70 : memref<1x512x64xf32, #tpu.memory_space<vmem>> -> memref<512x64xf32, #tpu.memory_space<vmem>>
    tpu.wait_dma2 semaphore(%arg8 : memref<!tpu.dma_semaphore, #tpu.memory_space<semaphore_mem>>) src(%dma_wait3A_71 : memref<512x64xf32, #tpu.memory_space<vmem>>) dst(%dma_wait3A_67 : memref<512x64xf32, #tpu.memory_space<hbm>>)
    %dma_wait3A_72 = arith.constant 1 : i32
    %dma_wait3A_73 = arith.constant 0 : i32
    %dma_wait3A_74 = arith.constant 0 : i32
    %dma_wait3A_75 = arith.constant 0 : i32
    %dma_wait3A_76 = tpu.memref_slice %arg6[%dma_wait3A_72, %dma_wait3A_74, %dma_wait3A_75] : memref<2x512x64xf32, #tpu.memory_space<vmem>> -> memref<1x512x64xf32, #tpu.memory_space<vmem>>
    %dma_wait3A_77 = tpu.memref_squeeze %dma_wait3A_76 : memref<1x512x64xf32, #tpu.memory_space<vmem>> -> memref<512x64xf32, #tpu.memory_space<vmem>>
    %dma_wait3A_78 = arith.constant 0 : i32
    %dma_wait3A_79 = arith.constant 0 : i32
    %dma_wait3A_80 = tpu.memref_slice %arg4[%dma_wait3A_73, %dma_wait3A_78, %dma_wait3A_79] : memref<1024x1024x128xf32, #tpu.memory_space<hbm>> -> memref<1x512x64xf32, #tpu.memory_space<hbm>>
    %dma_wait3A_81 = tpu.memref_squeeze %dma_wait3A_80 : memref<1x512x64xf32, #tpu.memory_space<hbm>> -> memref<512x64xf32, #tpu.memory_space<hbm>>
    %dma_wait3A_82 = arith.constant 0 : i32
    %dma_wait3A_83 = arith.constant 0 : i32
    %dma_wait3A_84 = tpu.memref_slice %arg4[%dma_wait3A_73, %dma_wait3A_82, %dma_wait3A_83] : memref<1024x1024x128xf32, #tpu.memory_space<hbm>> -> memref<1x512x64xf32, #tpu.memory_space<hbm>>
    %dma_wait3A_85 = tpu.memref_squeeze %dma_wait3A_84 : memref<1x512x64xf32, #tpu.memory_space<hbm>> -> memref<512x64xf32, #tpu.memory_space<hbm>>
    %dma_wait3A_86 = arith.constant 0 : i32
    %dma_wait3A_87 = arith.constant 0 : i32
    %dma_wait3A_88 = tpu.memref_slice %arg6[%dma_wait3A_72, %dma_wait3A_86, %dma_wait3A_87] : memref<2x512x64xf32, #tpu.memory_space<vmem>> -> memref<1x512x64xf32, #tpu.memory_space<vmem>>
    %dma_wait3A_89 = tpu.memref_squeeze %dma_wait3A_88 : memref<1x512x64xf32, #tpu.memory_space<vmem>> -> memref<512x64xf32, #tpu.memory_space<vmem>>
    tpu.wait_dma2 semaphore(%arg8 : memref<!tpu.dma_semaphore, #tpu.memory_space<semaphore_mem>>) src(%dma_wait3A_89 : memref<512x64xf32, #tpu.memory_space<vmem>>) dst(%dma_wait3A_85 : memref<512x64xf32, #tpu.memory_space<hbm>>)
    return
  }
}

</mosaic_0001>

<sc_bundles>
// kernel: _gather_rows.3.cloned.1.call-start
scs
__scs_entry_jumppad:
0x0: {  	(pc) =	sbr.rel $0x88, $3  }
0x1: {  	(tag) =	ssettag $0x0;
	lr =	simm.s32 $0x1  }
0x2: {  	[smem:$0x3F9F] =	sst lr;
	_ =	strace $0xD0000000  }
0x3: {  	_ = 	snop  }
0x4: {  	_ = 	snop  }
0x5: {  	_ = 	snop  }
0x6: {  	_ = 	snop  }
0x7: {  	_ = 	snop  }
__scs_overlays_trampoline_lowered:
0x8: {  	[smem:$0x3FAE] =	sst s0  }
0x9: {  	[smem:$0x3FAF] =	sst s1  }
0xa: {  	[smem:$0x3FB0] =	sst s2  }
0xb: {  	[smem:$0x3FB1] =	sst s3  }
0xc: {  	[smem:$0x3FB2] =	sst s4  }
0xd: {  	[smem:$0x3FB3] =	sst s5  }
0xe: {  	[smem:$0x3FB4] =	sst s6  }
0xf: {  	[smem:$0x3FB5] =	sst s7  }
0x10: {  	[smem:$0x3FB6] =	sst s8  }
0x11: {  	[smem:$0x3FB7] =	sst s9;
	s0 =	simm.s32 @!p0 $0x0  }
0x12: {  	s1 =	sld [smem:$0x3F9D];
	s0 =	simm.s32 @p0 $0x1  }
0x13: {  	[smem:$0x3FB8] =	sst s0;
	s0 =	simm.s32 @!p1 $0x0  }
0x14: {  	s2 =	sld [smem:$0x3F9C];
	s0 =	simm.s32 @p1 $0x1  }
0x15: {  	[smem:$0x3FB9] =	sst s0;
	s0 =	simm.s32 @!p2 $0x0  }
0x16: {  	s3 =	sld [smem:$0x3FDB];
	s0 =	simm.s32 @p2 $0x1  }
0x17: {  	s4 =	simm.s32 $0x1BF5;
	[smem:$0x3FBB] =	sst s0  }
0x18: {  	s0 =	sld [smem:$0x3F9E];
	_ =	swait.ge [sflag:s4], $0x0  }
0x19: {  	s7 =	sld [smem:$0x3F9F]  }
0x1a: {  	s8 =	sadd.s32 $0xFFFFE003, lr  }
0x1b: {  	s9 =	sadd.s32 $0xFFFFFEF7, lr;
	s5 =	simm.s32 $0xFFFFFFFF;
	p2 =	slt.u32 s8, $0xFFFFF086  }
0x1c: {  	p1 =	slt.u32 s9, $0xF7A;
	s5 =	simm.s32 @!p2 $0x0  }
0x1d: {  	s5 =	simm.s32 @p1 $0x1;
	p0 =	seq.s32 s7, s2  }
0x1e: {  	s7 =	smul.u32 @!p0 $0xF7A, s2;
	p2 =	seq.s32 @!p0 s5, $0x0  }
0x1f: {  	s9 =	smul.u32 $0xF7A, s1;
	s8 =	simm.s32 @!p0 $0x1BF5;
	p2 =	por !p2, p0  }
0x20: {  	[sflag:s8] =	ssyncset.s32 @!p0 $0xFFFFF086;
	s6 =	sadd.s32 @!p0 s3, s7;
	s7 =	simm.s32 @!p0 $0x108  }
0x21: {  	s3 =	sadd.s32 s3, s9;
	s6 =	sadd.s32 @!p0 $0x88, s6;
	s7 =	simm.s32 @p2 $0x1082  }
0x22: {  	[simem:s7], [sflag:s8] =	dma.local @!p0 [hbm:s6], $0xF7A  }
0x23: {  	s9 =	sor.u32 $0xD0000000, s2;
	s6 =	simm.s32 $0x108;
	_ =	swait.ge @!p0 [sflag:s8], $0x0  }
0x24: {  	s3 =	sadd.s32 $0x88, s3;
	s6 =	simm.s32 @!p1 $0x1082;
	[sflag:s4] =	ssyncset.s32 $0xFFFFF086  }
0x25: {  	[simem:s6], [sflag:s4] =	dma.local [hbm:s3], $0xF7A  }
0x26: {  	[smem:$0x3F9F] =	sst s1;
	(tag) =	ssettag s2;
	_ =	strace s9  }
0x27: {  	s1 =	sld [smem:$0x3FAF]  }
0x28: {  	s2 =	sld [smem:$0x3FB0]  }
0x29: {  	s4 =	sld [smem:$0x3FB2]  }
0x2a: {  	p0 =	seq.s32 s5, $0x0;
	s5 =	sld [smem:$0x3FB3]  }
0x2b: {  	s6 =	sld [smem:$0x3FB4]  }
0x2c: {  	s7 =	sld [smem:$0x3FB5]  }
0x2d: {  	s3 =	simm.s32 $0x108;
	s8 =	sld [smem:$0x3FB6]  }
0x2e: {  	s3 =	simm.s32 @!p0 $0x1082;
	s9 =	sld [smem:$0x3FB7]  }
0x2f: {  	lr =	sadd.s32 s0, s3;
	s0 =	sld [smem:$0x3FAE]  }
0x30: {  	s3 =	sld [smem:$0x3FB1]  }
0x31: {  	[smem:$0x3FBA] =	sst s10  }
0x32: {  	s10 =	sld [smem:$0x3FB8];
	_ =	sdelay $0x3  }
0x33: {  	p0 =	seq.s32 s10, $0x1;
	s10 =	sld [smem:$0x3FBA];
	_ =	sdelay $0x3  }
0x34: {  	[smem:$0x3FBA] =	sst s10  }
0x35: {  	s10 =	sld [smem:$0x3FB9];
	_ =	sdelay $0x3  }
0x36: {  	p1 =	seq.s32 s10, $0x1;
	s10 =	sld [smem:$0x3FBA];
	_ =	sdelay $0x3  }
0x37: {  	[smem:$0x3FBA] =	sst s10  }
0x38: {  	s10 =	sld [smem:$0x3FBB]  }
0x39: {  	_ = 	snop;
	(pc) =	sbr.ind lr, $3  }
0x3a: {  	_ = 	snop  }
0x3b: {  	_ = 	snop  }
0x3c: {  	p2 =	seq.s32 s10, $0x1;
	s10 =	sld [smem:$0x3FBA]  }
0x3d: {  	_ =	shalt  }
0x3e: {  	_ =	shalt  }
0x3f: {  	_ =	shalt  }
0x40: {  	_ =	shalt  }
0x41: {  	_ =	shalt  }
0x42: {  	_ =	shalt  }
0x43: {  	_ =	shalt  }
0x44: {  	_ =	shalt  }
0x45: {  	_ =	shalt  }
0x46: {  	_ =	shalt  }
0x47: {  	_ =	shalt  }
0x48: {  	_ =	shalt  }
0x49: {  	_ =	shalt  }
0x4a: {  	_ =	shalt  }
0x4b: {  	_ =	shalt  }
0x4c: {  	_ =	shalt  }
0x4d: {  	_ =	shalt  }
0x4e: {  	_ =	shalt  }
0x4f: {  	_ =	shalt  }
0x50: {  	_ =	shalt  }
0x51: {  	_ =	shalt  }
0x52: {  	_ =	shalt  }
0x53: {  	_ =	shalt  }
0x54: {  	_ =	shalt  }
0x55: {  	_ =	shalt  }
0x56: {  	_ =	shalt  }
0x57: {  	_ =	shalt  }
0x58: {  	_ =	shalt  }
0x59: {  	_ =	shalt  }
0x5a: {  	_ =	shalt  }
0x5b: {  	_ =	shalt  }
0x5c: {  	_ =	shalt  }
0x5d: {  	_ =	shalt  }
0x5e: {  	_ =	shalt  }
0x5f: {  	_ =	shalt  }
0x60: {  	_ =	shalt  }
0x61: {  	_ =	shalt  }
0x62: {  	_ =	shalt  }
0x63: {  	_ =	shalt  }
0x64: {  	_ =	shalt  }
0x65: {  	_ =	shalt  }
0x66: {  	_ =	shalt  }
0x67: {  	_ =	shalt  }
0x68: {  	_ =	shalt  }
0x69: {  	_ =	shalt  }
0x6a: {  	_ =	shalt  }
0x6b: {  	_ =	shalt  }
0x6c: {  	_ =	shalt  }
0x6d: {  	_ =	shalt  }
0x6e: {  	_ =	shalt  }
0x6f: {  	_ =	shalt  }
0x70: {  	_ =	shalt  }
0x71: {  	_ =	shalt  }
0x72: {  	_ =	shalt  }
0x73: {  	_ =	shalt  }
0x74: {  	_ =	shalt  }
0x75: {  	_ =	shalt  }
0x76: {  	_ =	shalt  }
0x77: {  	_ =	shalt  }
0x78: {  	_ =	shalt  }
0x79: {  	_ =	shalt  }
0x7a: {  	_ =	shalt  }
0x7b: {  	_ =	shalt  }
0x7c: {  	_ =	shalt  }
0x7d: {  	_ =	shalt  }
0x7e: {  	_ =	shalt  }
0x7f: {  	_ =	shalt  }
0x80: {  	_ =	shalt  }
0x81: {  	_ =	shalt  }
0x82: {  	_ =	shalt  }
0x83: {  	_ =	shalt  }
0x84: {  	_ =	shalt  }
0x85: {  	_ =	shalt  }
0x86: {  	_ =	shalt  }
0x87: {  	_ =	shalt  }
.Lfunc_end0:
.L_simem_size_0:
called_computation_lowered:
.L_overlay_start_0:
0x88: {  	s2 =	sld [smem:$0x3FD9]  }
0x89: {  	s3 =	sld [smem:$0x3FFE];
	_ =	sdelay $0x1  }
0x8a: {  	s1 =	srdreg.scid  }
0x8b: {  	s0 =	sand.u32 $0x1, s1  }
0x8c: {  	s17 =	sshll.u32 s0, $0xA;
	s2 =	sadd.s32 s3, s2  }
0x8d: {  	s2 =	sadd.s32 s2, s17  }
0x8e: {  	[smem:$0x3FC6] =	sst s2  }
0x8f: {  	_ = 	snop  }
0x90: {  	s2 =	sld [smem:$0x3FC8]  }
0x91: {  	s18 =	sld [smem:$0x3FD0];
	(tm) =	ssettm $0x1  }
0x92: {  	s4 =	sld [smem:$0x3FFB];
	_ =	sdelay $0x3  }
0x93: {  	_ =	strace s4  }
0x94: {  	s4 =	sld [smem:$0x3FFC];
	_ =	sdelay $0x3  }
0x95: {  	_ =	strace s4  }
0x96: {  	s4 =	sld [smem:$0x3FFD];
	_ =	sdelay $0x3  }
0x97: {  	_ =	strace s4  }
0x98: {  	_ =	strace $0x8FFFFFFF  }
0x99: {  	s19 =	sld [smem:$0x3FDB];
	_ =	sdelay $0x1  }
0x9a: {  	s5 =	simm.s32 $_scs_section_size  }
0x9b: {  	s6 =	simm.s32 $_size__tile_overlayer_lowered;
	s7 =	simm.s32 $_tile_overlayer_lowered  }
0x9c: {  	s22 =	simm.s32 $0x1BFF;
	s21 =	sshll.u32 s7, $0x1;
	s4 =	sadd.s32 s5, s19  }
0x9d: {  	s8 =	simm.s32 $0x0;
	s20 =	sshll.u32 s6, $0x1;
	s6 =	sadd.s32 s21, s4  }
0x9e: {  	[timem:s8], [sflag:s22] =	dma.local [hbm:s6], s20  }
0x9f: {  	_ =	swait.ge [sflag:s22], s20  }
0xa0: {  	s5 =	ssub.s32 $0x0, s20;
	[sflag:s22] =	ssyncset.done $0x0  }
0xa1: {  	[sflag:s22] =	ssyncadd.s32 s5;
	_ =	sdelay $0x1  }
0xa2: {  	s23 =	simm.s32 $0x1B8B  }
0xa3: {  	_ =	swait.ge [sflag:s23], $0x1  }
0xa4: {  	[sflag:s23] =	ssyncset.done $0x0  }
0xa5: {  	s25 =	simm.s32 $0x1B8E;
	s24 =	sld [smem:$0x3FFE];
	[sflag:s23] =	ssyncadd.s32 $0xFFFFFFFF  }
0xa6: {  	s26 =	simm.s32 $execute0_lowered;
	[smem:$0x3FD2] =	sst s25  }
0xa7: {  	s6 =	sshll.u32 s26, $0x1;
	_ =	strace $0x80000046;
	[dreg:$0x1] =	wrdreg $0xFFFFFFFF  }
0xa8: {  	s28 =	simm.s32 $_size_execute0_lowered;
	s4 =	sadd.s32 s4, s6;
	[dreg:$0x0] =	wrdreg $0x0  }
0xa9: {  	s6 =	sshll.u32 s28, $0x1;
	[dreg:$0x2] =	wrdreg s4  }
0xaa: {  	[dreg:$0x3] =	wrdreg s6  }
0xab: {  	[dreg:$0x4] =	wrdreg $0xC0  }
0xac: {  	_ =	task [dreg:s8], $0x5FFFF  }
0xad: {  	[dreg:$0x1] =	wrdreg $0xFFFFFFFF  }
0xae: {  	[dreg:$0x0] =	wrdreg $0x60  }
0xaf: {  	[dreg:$0x2] =	wrdreg s24  }
0xb0: {  	[dreg:$0x3] =	wrdreg s2  }
0xb1: {  	[dreg:$0x4] =	wrdreg s18  }
0xb2: {  	[dreg:$0x5] =	wrdreg $0x9  }
0xb3: {  	_ =	task.clear_ibuf [dreg:s8], $0x6FFFF;
	_ =	strace $0x90000046  }
0xb4: {  	s29 =	simm.s32 $0x9;
	_ =	strace $0x80000048  }
0xb5: {  	_ =	swait.ge [sflag:s29], $0x1  }
0xb6: {  	[sflag:s29] =	ssyncadd.s32 $0xFFFFFFFF  }
0xb7: {  	_ =	strace $0x90000048  }
0xb8: {  	_ =	sfence  }
0xb9: {  	s30 =	sld [smem:$0x0];
	_ =	sdelay $0x2  }
0xba: {  	s31 =	sshll.u32 s1, $0xD;
	s1 =	sshrl.u32 s1, $0x2  }
0xbb: {  	s3 =	sand.u32 $0x4000, s31;
	s1 =	sadd.s32 s1, s30  }
0xbc: {  	s0 =	sor.u32 s3, s0;
	s1 =	sshll.u32 s1, $0x11  }
0xbd: {  	s0 =	sor.u32 s1, s0  }
0xbe: {  	s0 =	sadd.s32 $0x8F2B, s0  }
0xbf: {  	[sflag:s0] =	ssyncadd.remote.s32 $0x1  }
0xc0: {  	_ =	sfence.sel $0xFFFF  }
0xc1: {  	[dreg:$0x0] =	wrdreg $0xFFFFFFFF;
	(pc) =	sbr.abs _section_cstart, $3  }
0xc2: {  	[dreg:$0x1] =	wrdreg $0xFFFFFFFF  }
0xc3: {  	_ =	task.clear_ibuf [dreg:s8], $0x2FFFF;
	_ =	strace $0x9FFFFFFF  }
0xc4: {  	(tm) =	ssettm $0x7FFFFFFF  }
0xc5: {  	_ =	shalt  }
tec
execute0_lowered:
.L_overlay_start_1:
0x0: {  	(tag) =	ssettag $0x1  }
0x1: {  	s0 =	rddreg [dreg:$0x0]  }
0x2: {  	s1 =	rddreg [dreg:$0x1]  }
0x3: {  	s7 =	rddreg [dreg:$0x2]  }
0x4: {  	s2 =	simm.s32 $0x0;
	s3 =	srdreg.scid;
	s9 =	stileid.u32  }
0x5: {  	s11 =	simm.s32 $0x3;
	s12 =	simm.s32 $0x80;
	s13 =	simm.s32 $0x8000  }
0x6: {  	s14 =	simm.s32 $0xA000;
	s16 =	simm.s32 $0xC000;
	s18 =	simm.s32 $0xE000  }
0x7: {  	s20 =	simm.s32 $0x10000;
	s22 =	simm.s32 $0x12000;
	s28 =	simm.s32 $0x1  }
0x8: {  	s29 =	simm.s32 $0x40;
	s30 =	simm.s32 $0x2;
	s21 =	simm.s32 $0x7F00  }
0x9: {  	[smem:$0x7FF] =	sst s2;
	s8 =	sand.u32 $0x1, s3;
	s5 =	sshll.u32 s9, $0x9  }
0xa: {  	s3 =	sadd.s32 $0x400, s0;
	s25 =	sshll.u32 s9, $0x14;
	_ =	strace $0x80000047  }
0xb: {  	s4 =	ssub.s32 $0x2, s8;
	s6 =	sshll.u32 s8, $0x8;
	s26 =	sadd.s32 s25, s7  }
0xc: {  	s31 =	sshll.u32 s8, $0x13;
	s23 =	sshrl.u32 s4, $0x1;
	s5 =	sor.u32 s6, s5  }
0xd: {  	s25 =	simm.s32 $0x0;
	s0 =	ssub.s32 s4, s23;
	s24 =	sshll.u32 s5, $0x4  }
0xe: {  	s5 =	sshll.u32 s5, $0xB;
	s23 =	simm.s32 $0x7F80;
	s4 =	sadd.s32 s1, s24  }
0xf: {  	s5 =	sadd.s32 s5, s7;
	s6 =	smax.u32 s0, $0x1;
	s0 =	sadd.s32 s31, s26  }
0x10: {  	s24 =	simm.s32 $0x14000;
	s26 =	simm.s32 $0x16000;
	s7 =	sadd.s32 $0x2000, s5  }
0x11: {  	s8 =	sadd.s32 $0x7C000, s5;
	s15 =	sadd.s32 $0x6000, s5;
	s10 =	sadd.s32 $0x4000, s0  }
.LBB2_1:
0x12: {  	[tilespmem:s2], [sflag:$0x3] =	stream.linear.gather [hbm4b:s4+s2], $0x8000, $0x38;
	[tilespmem:$0x18000] =	vst v63  }
0x13: {  	_ =	swait.ge [sflag:s11], $0x8000  }
0x14: {  	[sflag:s11] =	ssyncset.done $0x0  }
0x15: {  	[sflag:s11] =	ssyncadd.s32 $0xFFFF8000  }
0x16: {  	[tilespmem:s13], [sflag:$0x1] =	stream.indirect.gather [hbm4b:s3+s12], $0x40, s2, s12, $0xb8;
	[tilespmem:$0x18000] =	vst v63  }
0x17: {  	_ = 	snop  }
0x18: {  	[tilespmem:s14], [sflag:$0x1] =	stream.indirect.gather [hbm4b:s3+s12], $0x40, s12, s12, $0xb8;
	[tilespmem:$0x18000] =	vst v63  }
0x19: {  	s0 =	simm.s32 $0x100  }
0x1a: {  	[tilespmem:s16], [sflag:$0x1] =	stream.indirect.gather [hbm4b:s3+s12], $0x40, s0, s12, $0xb8;
	[tilespmem:$0x18000] =	vst v63  }
0x1b: {  	s19 =	simm.s32 $0x180  }
0x1c: {  	[tilespmem:s18], [sflag:$0x1] =	stream.indirect.gather [hbm4b:s3+s12], $0x40, s19, s12, $0xb8;
	[tilespmem:$0x18000] =	vst v63  }
0x1d: {  	s1 =	simm.s32 $0x200  }
0x1e: {  	[tilespmem:s20], [sflag:$0x1] =	stream.indirect.gather [hbm4b:s3+s12], $0x40, s1, s12, $0xb8;
	[tilespmem:$0x18000] =	vst v63  }
0x1f: {  	s9 =	simm.s32 $0x280  }
0x20: {  	[tilespmem:s22], [sflag:$0x1] =	stream.indirect.gather [hbm4b:s3+s12], $0x40, s9, s12, $0xb8;
	[tilespmem:$0x18000] =	vst v63  }
0x21: {  	s17 =	simm.s32 $0x300  }
0x22: {  	[tilespmem:s24], [sflag:$0x1] =	stream.indirect.gather [hbm4b:s3+s12], $0x40, s17, s12, $0xb8;
	[tilespmem:$0x18000] =	vst v63  }
0x23: {  	s19 =	simm.s32 $0x380  }
0x24: {  	[tilespmem:s26], [sflag:$0x1] =	stream.indirect.gather [hbm4b:s3+s12], $0x40, s19, s12, $0xb8;
	[tilespmem:$0x18000] =	vst v63  }
0x25: {  	_ =	swait.ge [sflag:s28], $0x8000  }
0x26: {  	[sflag:s28] =	ssyncset.done $0x0  }
0x27: {  	[sflag:s28] =	ssyncadd.s32 $0xFFFF8000  }
0x28: {  	[hbm4b:s5+s29] =	stream.strided.scatter [tilespmem:s13], [sflag:$0x2], $0x8000, s12, s29, $0x38;
	[tilespmem:$0x18000] =	vst v63  }
0x29: {  	_ =	swait.ge [sflag:s30], $0x8000  }
0x2a: {  	[sflag:s30] =	ssyncset.done $0x0  }
0x2b: {  	s1 =	simm.s32 $0x400;
	[sflag:s30] =	ssyncadd.s32 $0xFFFF8000  }
0x2c: {  	[tilespmem:s13], [sflag:$0x1] =	stream.indirect.gather [hbm4b:s3+s12], $0x40, s1, s12, $0xb8;
	[tilespmem:$0x18000] =	vst v63  }
0x2d: {  	s9 =	simm.s32 $0x480  }
0x2e: {  	[tilespmem:s14], [sflag:$0x1] =	stream.indirect.gather [hbm4b:s3+s12], $0x40, s9, s12, $0xb8;
	[tilespmem:$0x18000] =	vst v63  }
0x2f: {  	s17 =	simm.s32 $0x500  }
0x30: {  	[tilespmem:s16], [sflag:$0x1] =	stream.indirect.gather [hbm4b:s3+s12], $0x40, s17, s12, $0xb8;
	[tilespmem:$0x18000] =	vst v63  }
0x31: {  	s19 =	simm.s32 $0x580  }
0x32: {  	[tilespmem:s18], [sflag:$0x1] =	stream.indirect.gather [hbm4b:s3+s12], $0x40, s19, s12, $0xb8;
	[tilespmem:$0x18000] =	vst v63  }
0x33: {  	_ =	swait.ge [sflag:s28], $0x8000  }
0x34: {  	[sflag:s28] =	ssyncset.done $0x0  }
0x35: {  	[sflag:s28] =	ssyncadd.s32 $0xFFFF8000  }
0x36: {  	[hbm4b:s7+s29] =	stream.strided.scatter [tilespmem:s20], [sflag:$0x2], $0x8000, s12, s29, $0x38;
	[tilespmem:$0x18000] =	vst v63  }
0x37: {  	_ =	swait.ge [sflag:s30], $0x8000  }
0x38: {  	[sflag:s30] =	ssyncset.done $0x0  }
0x39: {  	s1 =	simm.s32 $0x600;
	[sflag:s30] =	ssyncadd.s32 $0xFFFF8000  }
0x3a: {  	[tilespmem:s20], [sflag:$0x1] =	stream.indirect.gather [hbm4b:s3+s12], $0x40, s1, s12, $0xb8;
	[tilespmem:$0x18000] =	vst v63  }
0x3b: {  	s9 =	simm.s32 $0x680  }
0x3c: {  	[tilespmem:s22], [sflag:$0x1] =	stream.indirect.gather [hbm4b:s3+s12], $0x40, s9, s12, $0xb8;
	[tilespmem:$0x18000] =	vst v63  }
0x3d: {  	s17 =	simm.s32 $0x700  }
0x3e: {  	[tilespmem:s24], [sflag:$0x1] =	stream.indirect.gather [hbm4b:s3+s12], $0x40, s17, s12, $0xb8;
	[tilespmem:$0x18000] =	vst v63  }
0x3f: {  	s19 =	simm.s32 $0x780  }
0x40: {  	[tilespmem:s26], [sflag:$0x1] =	stream.indirect.gather [hbm4b:s3+s12], $0x40, s19, s12, $0xb8;
	[tilespmem:$0x18000] =	vst v63  }
0x41: {  	_ =	swait.ge [sflag:s28], $0x8000  }
0x42: {  	[sflag:s28] =	ssyncset.done $0x0  }
0x43: {  	[sflag:s28] =	ssyncadd.s32 $0xFFFF8000  }
0x44: {  	[hbm4b:s10+s29] =	stream.strided.scatter [tilespmem:s13], [sflag:$0x2], $0x8000, s12, s29, $0x38;
	[tilespmem:$0x18000] =	vst v63  }
0x45: {  	_ =	swait.ge [sflag:s30], $0x8000  }
0x46: {  	[sflag:s30] =	ssyncset.done $0x0  }
0x47: {  	s1 =	simm.s32 $0x800;
	[sflag:s30] =	ssyncadd.s32 $0xFFFF8000  }
0x48: {  	[tilespmem:s13], [sflag:$0x1] =	stream.indirect.gather [hbm4b:s3+s12], $0x40, s1, s12, $0xb8;
	[tilespmem:$0x18000] =	vst v63  }
0x49: {  	s9 =	simm.s32 $0x880  }
0x4a: {  	[tilespmem:s14], [sflag:$0x1] =	stream.indirect.gather [hbm4b:s3+s12], $0x40, s9, s12, $0xb8;
	[tilespmem:$0x18000] =	vst v63  }
0x4b: {  	s17 =	simm.s32 $0x900  }
0x4c: {  	[tilespmem:s16], [sflag:$0x1] =	stream.indirect.gather [hbm4b:s3+s12], $0x40, s17, s12, $0xb8;
	[tilespmem:$0x18000] =	vst v63  }
0x4d: {  	s19 =	simm.s32 $0x980  }
0x4e: {  	[tilespmem:s18], [sflag:$0x1] =	stream.indirect.gather [hbm4b:s3+s12], $0x40, s19, s12, $0xb8;
	[tilespmem:$0x18000] =	vst v63  }
0x4f: {  	_ =	swait.ge [sflag:s28], $0x8000  }
0x50: {  	s31 =	sadd.s32 $0x4000, s15;
	s0 =	simm.s32 $0x1000;
	[sflag:s28] =	ssyncset.done $0x0  }
0x51: {  	s1 =	sadd.s32 $0x4000, s10;
	s9 =	smov.u32 s15;
	[sflag:s28] =	ssyncadd.s32 $0xFFFF8000  }
.LBB2_2:
0x52: {  	[hbm4b:s9+s29] =	stream.strided.scatter [tilespmem:s20], [sflag:$0x2], $0x8000, s12, s29, $0x38;
	[tilespmem:$0x18000] =	vst v63  }
0x53: {  	s17 =	smov.u32 s0;
	s9 =	smov.u32 s31  }
0x54: {  	p0 =	sne.s32 s0, $0x1D000;
	s0 =	sadd.s32 $0x1000, s0;
	_ =	swait.ge [sflag:s30], $0x8000  }
0x55: {  	s17 =	sshra.s32 s17, $0x2;
	[sflag:s30] =	ssyncset.done $0x0  }
0x56: {  	s19 =	sadd.s32 $0x600, s17;
	[sflag:s30] =	ssyncadd.s32 $0xFFFF8000  }
0x57: {  	[tilespmem:s20], [sflag:$0x1] =	stream.indirect.gather [hbm4b:s3+s12], $0x40, s19, s12, $0xb8;
	[tilespmem:$0x18000] =	vst v63  }
0x58: {  	s19 =	sadd.s32 $0x680, s17  }
0x59: {  	[tilespmem:s22], [sflag:$0x1] =	stream.indirect.gather [hbm4b:s3+s12], $0x40, s19, s12, $0xb8;
	[tilespmem:$0x18000] =	vst v63  }
0x5a: {  	s19 =	sadd.s32 $0x700, s17  }
0x5b: {  	[tilespmem:s24], [sflag:$0x1] =	stream.indirect.gather [hbm4b:s3+s12], $0x40, s19, s12, $0xb8;
	[tilespmem:$0x18000] =	vst v63  }
0x5c: {  	s19 =	sadd.s32 $0x780, s17  }
0x5d: {  	[tilespmem:s26], [sflag:$0x1] =	stream.indirect.gather [hbm4b:s3+s12], $0x40, s19, s12, $0xb8;
	[tilespmem:$0x18000] =	vst v63  }
0x5e: {  	_ =	swait.ge [sflag:s28], $0x8000  }
0x5f: {  	[sflag:s28] =	ssyncset.done $0x0  }
0x60: {  	[sflag:s28] =	ssyncadd.s32 $0xFFFF8000  }
0x61: {  	[hbm4b:s1+s29] =	stream.strided.scatter [tilespmem:s13], [sflag:$0x2], $0x8000, s12, s29, $0x38;
	[tilespmem:$0x18000] =	vst v63  }
0x62: {  	_ =	swait.ge [sflag:s30], $0x8000  }
0x63: {  	[sflag:s30] =	ssyncset.done $0x0  }
0x64: {  	s19 =	sadd.s32 $0x800, s17;
	[sflag:s30] =	ssyncadd.s32 $0xFFFF8000  }
0x65: {  	[tilespmem:s13], [sflag:$0x1] =	stream.indirect.gather [hbm4b:s3+s12], $0x40, s19, s12, $0xb8;
	[tilespmem:$0x18000] =	vst v63  }
0x66: {  	s19 =	sadd.s32 $0x880, s17  }
0x67: {  	[tilespmem:s14], [sflag:$0x1] =	stream.indirect.gather [hbm4b:s3+s12], $0x40, s19, s12, $0xb8;
	[tilespmem:$0x18000] =	vst v63  }
0x68: {  	s19 =	sadd.s32 $0x900, s17  }
0x69: {  	[tilespmem:s16], [sflag:$0x1] =	stream.indirect.gather [hbm4b:s3+s12], $0x40, s19, s12, $0xb8;
	[tilespmem:$0x18000] =	vst v63  }
.Ltmp0:
0x6a: {  	s17 =	sadd.s32 $0x980, s17;
	(pc) =	sbr.rel @p0 .LBB2_2-.Ltmp0, $4  }
0x6b: {  	[tilespmem:s18], [sflag:$0x1] =	stream.indirect.gather [hbm4b:s3+s12], $0x40, s17, s12, $0xb8;
	[tilespmem:$0x18000] =	vst v63  }
0x6c: {  	_ =	swait.ge [sflag:s28], $0x8000  }
0x6d: {  	[sflag:s28] =	ssyncset.done $0x0  }
0x6e: {  	s31 =	sadd.s32 $0x4000, s31;
	s1 =	sadd.s32 $0x4000, s1;
	[sflag:s28] =	ssyncadd.s32 $0xFFFF8000  }
0x6f: {  	[hbm4b:s9+s29] =	stream.strided.scatter [tilespmem:s20], [sflag:$0x2], $0x8000, s12, s29, $0x38;
	[tilespmem:$0x18000] =	vst v63  }
0x70: {  	_ =	swait.ge [sflag:s30], $0x8000  }
0x71: {  	[sflag:s30] =	ssyncset.done $0x0  }
0x72: {  	s0 =	simm.s32 $0x7E00;
	[sflag:s30] =	ssyncadd.s32 $0xFFFF8000  }
0x73: {  	[tilespmem:s20], [sflag:$0x1] =	stream.indirect.gather [hbm4b:s3+s12], $0x40, s0, s12, $0xb8;
	[tilespmem:$0x18000] =	vst v63  }
0x74: {  	s19 =	simm.s32 $0x7E80  }
0x75: {  	[tilespmem:s22], [sflag:$0x1] =	stream.indirect.gather [hbm4b:s3+s12], $0x40, s19, s12, $0xb8;
	[tilespmem:$0x18000] =	vst v63  }
0x76: {  	_ = 	snop  }
0x77: {  	[tilespmem:s24], [sflag:$0x1] =	stream.indirect.gather [hbm4b:s3+s12], $0x40, s21, s12, $0xb8;
	[tilespmem:$0x18000] =	vst v63  }
0x78: {  	_ = 	snop  }
0x79: {  	[tilespmem:s26], [sflag:$0x1] =	stream.indirect.gather [hbm4b:s3+s12], $0x40, s23, s12, $0xb8;
	[tilespmem:$0x18000] =	vst v63  }
0x7a: {  	_ =	swait.ge [sflag:s28], $0x8000  }
0x7b: {  	[sflag:s28] =	ssyncset.done $0x0  }
0x7c: {  	[sflag:s28] =	ssyncadd.s32 $0xFFFF8000  }
0x7d: {  	[hbm4b:s8+s29] =	stream.strided.scatter [tilespmem:s13], [sflag:$0x2], $0x8000, s12, s29, $0x38;
	[tilespmem:$0x18000] =	vst v63  }
0x7e: {  	_ =	swait.ge [sflag:s28], $0x8000  }
0x7f: {  	[sflag:s28] =	ssyncset.done $0x0  }
0x80: {  	s25 =	sadd.s32 $0x1, s25;
	[sflag:s28] =	ssyncadd.s32 $0xFFFF8000  }
0x81: {  	[hbm4b:s31+s29] =	stream.strided.scatter [tilespmem:s20], [sflag:$0x2], $0x8000, s12, s29, $0x38;
	[tilespmem:$0x18000] =	vst v63  }
0x82: {  	p0 =	sne.s32 s25, s6;
	_ =	swait.ge [sflag:s30], $0x8000  }
.Ltmp1:
0x83: {  	[sflag:s30] =	ssyncset.done $0x0;
	(pc) =	sbr.rel @p0 .LBB2_1-.Ltmp1, $4  }
0x84: {  	[sflag:s30] =	ssyncadd.s32 $0xFFFF8000  }
0x85: {  	_ =	swait.ge [sflag:s30], $0x8000  }
0x86: {  	[sflag:s30] =	ssyncset.done $0x0  }
0x87: {  	[sflag:s30] =	ssyncadd.s32 $0xFFFF8000  }
0x88: {  	_ =	sfence.sel $0x180000  }
0x89: {  	[bflag:$0x0] =	sbarrier.arrive $0xFFFF  }
0x8a: {  	_ =	strace $0x90000047  }
0x8b: {  	s0 =	stileid.u32;
	[bflag:$0x2] =	sbarrier.arrive $0xFFFF  }
0x8c: {  	p0 =	sne.s32 s0, $0x0;
	s0 =	rddreg [dreg:$0x3]  }
0x8d: {  	s0 =	sadd.s32 @!p0 $0x100000, s0  }
0x8e: {  	[sflag:s0] =	ssyncadd.tile.s32 @!p0 $0x1;
	_ =	shalt  }
.Lfunc_end2:
_tile_overlayer_lowered:
.L_overlay_start_2:
0x8f: {  	(tag) =	ssettag $0x2  }
0x90: {  	s0 =	rddreg [dreg:$0x0];
	s2 =	stileid.u32  }
0x91: {  	s1 =	rddreg [dreg:$0x1];
	p0 =	sne.s32 s2, $0x0  }
0x92: {  	s3 =	rddreg [dreg:$0x2];
	[bflag:$0x3] =	sbarrier.arrive $0xFFFF;
	s2 =	simm.s32 @!p0 $0x1C03  }
0x93: {  	[timem:s3], [sflag:s2] =	dma.local @!p0 [hbm:s0], s1  }
0x94: {  	s0 =	simm.s32 @!p0 $0x3  }
0x95: {  	_ =	swait.ge @!p0 [sflag:s0], s1  }
0x96: {  	s1 =	ssub.s32 @!p0 $0x0, s1;
	[sflag:s0] =	ssyncset.done @!p0 $0x0  }
0x97: {  	[sflag:s0] =	ssyncadd.s32 @!p0 s1  }
0x98: {  	[bflag:$0x3] =	sbarrier.arrive $0xFFFF  }
0x99: {  	_ =	shalt  }

</sc_bundles>
